<compile_context>
chip_gen: v7x
topology: tpu7x:2x2x1
jax: 0.10.2.dev20260603
libtpu: 0.0.44.dev20260713+nightly
codegen_flags: <defaults>
</compile_context>

<pallas_src>
import functools

import jax
import jax.numpy as jnp
from jax import lax
from jax.experimental import pallas as pl
from jax.experimental.pallas import tpu as pltpu
from jax.experimental.pallas import tpu_sc as plsc

N_U = 10000
N_V = 10000
E = 320000
EDIM = 16
FDIM = 128
AW = 160
BW = 208
EW = 96
CW = 72
NC = 2
NS = 16
EPT = E // NS
CHUNK = 80
NCHUNK = EPT // CHUNK
DRAIN = 80
NDRAIN = N_U // DRAIN
E8 = E // 8


def _node_tables_body(xu_ref, xv_ref, wa_ref, ba_ref, wb_ref, bb_ref,
                      a_ref, b_ref):
    h = pl.program_id(0)
    xa = jnp.where(h == 0, xu_ref[...], xv_ref[...])
    xb = jnp.where(h == 0, xv_ref[...], xu_ref[...])
    a_ref[...] = jnp.dot(xa, wa_ref[0], preferred_element_type=jnp.float32,
                         precision=lax.Precision.HIGHEST) + ba_ref[0]
    b_ref[...] = jnp.dot(xb, wb_ref[0], preferred_element_type=jnp.float32,
                         precision=lax.Precision.HIGHEST) + bb_ref[0]


def _node_tables(u_feat, v_feat, wa, ba, wb, bb):
    blk = 1000
    n = u_feat.shape[0]
    nb = n // blk
    return pl.pallas_call(
        _node_tables_body,
        grid=(2, nb),
        in_specs=[
            pl.BlockSpec((blk, FDIM), lambda h, i: (i, 0)),
            pl.BlockSpec((blk, FDIM), lambda h, i: (i, 0)),
            pl.BlockSpec((1, FDIM, AW), lambda h, i: (h, 0, 0)),
            pl.BlockSpec((1, 1, AW), lambda h, i: (h, 0, 0)),
            pl.BlockSpec((1, FDIM, BW), lambda h, i: (h, 0, 0)),
            pl.BlockSpec((1, 1, BW), lambda h, i: (h, 0, 0)),
        ],
        out_specs=[
            pl.BlockSpec((blk, AW), lambda h, i: (h * nb + i, 0)),
            pl.BlockSpec((blk, BW), lambda h, i: (h * nb + i, 0)),
        ],
        out_shape=[
            jax.ShapeDtypeStruct((2 * n, AW), jnp.float32),
            jax.ShapeDtypeStruct((2 * n, BW), jnp.float32),
        ],
    )(u_feat, v_feat, wa, ba, wb, bb)


def _eproj_body(x_ref, w_ref, b_ref, o_ref):
    o_ref[...] = (
        jnp.dot(x_ref[...], w_ref[0], preferred_element_type=jnp.float32,
                precision=lax.Precision.HIGHEST)
        + b_ref[0]
    )


def _eproj(e2, w, b):
    blk = 1000
    nb = E8 // blk
    return pl.pallas_call(
        _eproj_body,
        grid=(2, nb),
        in_specs=[
            pl.BlockSpec((blk, 128), lambda h, i: (i, 0)),
            pl.BlockSpec((1, 128, 768), lambda h, i: (h, 0, 0)),
            pl.BlockSpec((1, 1, 768), lambda h, i: (h, 0, 0)),
        ],
        out_specs=pl.BlockSpec((blk, 768), lambda h, i: (h * nb + i, 0)),
        out_shape=jax.ShapeDtypeStruct((2 * E8, 768), jnp.float32),
    )(e2, w, b)


def _sc_edge_kernel(sd_hbm, ecat_hbm, astack_hbm, bstack_hbm,
                    he_out, agg_out,
                    aidx, bidx, gidx, gidxb, ga, gb, ec, heov, cb,
                    agg_sh, zbuf, sem):
    cid = lax.axis_index("c")
    sid = lax.axis_index("s")
    nshift = cid * N_U
    a_off = cid * E
    b_off = E - a_off
    ep_base = 32 - 16 * cid

    zero16 = jnp.zeros((16,), jnp.float32)

    def _zrow(r, _):
        for c0 in (0, 16, 32, 48, 56):
            zbuf[r, pl.ds(c0, 16)] = zero16
        return 0
    lax.fori_loop(0, DRAIN, _zrow, 0)

    def _zslab(k, _):
        b = sid + k * NS

        @pl.when(b < NDRAIN)
        def _():
            pltpu.sync_copy(zbuf, agg_sh.at[pl.ds(pl.multiple_of(b * DRAIN, 8),
                                                  DRAIN)])
        return 0
    lax.fori_loop(0, (NDRAIN + NS - 1) // NS, _zslab, 0)

    def _zpad(r, _):
        cb[r, pl.ds(56, 16)] = zero16
        return 0
    lax.fori_loop(0, CHUNK, _zpad, 0)

    plsc.subcore_barrier()

    lanes = lax.iota(jnp.int32, 16)

    def _chunk(ch, _):
        base = pl.multiple_of(sid * EPT + ch * CHUNK, 8)
        pltpu.sync_copy(sd_hbm.at[pl.ds(a_off + base, CHUNK)], aidx)
        pltpu.sync_copy(sd_hbm.at[pl.ds(b_off + base, CHUNK)], bidx)
        for i in range(CHUNK // 16):
            gidx[pl.ds(i * 16, 16)] = aidx[pl.ds(i * 16, 16)] + nshift
            gidxb[pl.ds(i * 16, 16)] = bidx[pl.ds(i * 16, 16)] + nshift
        ha = pltpu.async_copy(astack_hbm.at[gidx], ga, sem)
        hb = pltpu.async_copy(bstack_hbm.at[gidxb], gb, sem)
        hc = pltpu.async_copy(ecat_hbm.at[pl.ds(a_off + base, CHUNK)], ec, sem)
        ha.wait()
        hb.wait()
        hc.wait()

        def _group(g, _):
            ids = lanes + g * 16
            zi = lanes * 0

            def _dot(k, acc):
                ck = zi + k
                return acc + (plsc.load_gather(ga, [ids, ck])
                              * plsc.load_gather(gb, [ids, ck]))
            lg = lax.fori_loop(0, FDIM, _dot, zero16, unroll=8)

            def _dot2(k, acc):
                ck = zi + k
                return acc + (plsc.load_gather(ec, [ids, ck])
                              * plsc.load_gather(ga, [ids, ck + FDIM]))
            lg = lax.fori_loop(0, EDIM, _dot2, lg, unroll=8)
            ex = jnp.exp(lg)

            def _ctr(j, acc):
                cj = zi + j
                val = acc * (plsc.load_gather(gb, [ids, cj + FDIM])
                             + plsc.load_gather(ec, [ids, cj + ep_base]))
                plsc.store_scatter(cb, [ids, cj], val)
                return acc
            lax.fori_loop(0, 64, _ctr, ex, unroll=8)
            plsc.store_scatter(cb, [ids, zi + 64], ex)

            @pl.when(cid == 0)
            def _():
                def _he(j, _2):
                    cj = zi + j
                    h = (plsc.load_gather(ec, [ids, cj + 16])
                         + plsc.load_gather(ga, [ids, cj + 144])
                         + plsc.load_gather(gb, [ids, cj + 192]))
                    plsc.store_scatter(heov, [ids, cj], h)
                    return 0
                lax.fori_loop(0, EDIM, _he, 0, unroll=8)
            return 0

        lax.fori_loop(0, CHUNK // 16, _group, 0)

        @pl.when(cid == 0)
        def _():
            pltpu.sync_copy(heov, he_out.at[pl.ds(base, CHUNK)])

        pltpu.sync_copy(cb, agg_sh.at[aidx], add=True)
        return 0

    lax.fori_loop(0, NCHUNK, _chunk, 0)

    plsc.subcore_barrier()

    def _drain(k, _):
        b = sid + k * NS

        @pl.when(b < NDRAIN)
        def _():
            r = pl.multiple_of(b * DRAIN, 8)
            ro = pl.multiple_of(nshift + b * DRAIN, 8)
            pltpu.sync_copy(agg_sh.at[pl.ds(r, DRAIN)], zbuf)
            pltpu.sync_copy(zbuf, agg_out.at[pl.ds(ro, DRAIN)])
        return 0
    lax.fori_loop(0, (NDRAIN + NS - 1) // NS, _drain, 0)


def _sc_edge(sd, ecat, astack, bstack):
    mesh = plsc.VectorSubcoreMesh(core_axis_name="c", subcore_axis_name="s")
    f = functools.partial(
        pl.kernel,
        mesh=mesh,
        compiler_params=pltpu.CompilerParams(use_tc_tiling_on_sc=False,
                                             needs_layout_passes=False),
        out_type=(
            jax.ShapeDtypeStruct((E, EDIM), jnp.float32),
            jax.ShapeDtypeStruct((NC * N_U, CW), jnp.float32),
        ),
        scratch_types=[
            pltpu.VMEM((CHUNK,), jnp.int32),
            pltpu.VMEM((CHUNK,), jnp.int32),
            pltpu.VMEM((CHUNK,), jnp.int32),
            pltpu.VMEM((CHUNK,), jnp.int32),
            pltpu.VMEM((CHUNK, AW), jnp.float32),
            pltpu.VMEM((CHUNK, BW), jnp.float32),
            pltpu.VMEM((CHUNK, EW), jnp.float32),
            pltpu.VMEM((CHUNK, EDIM), jnp.float32),
            pltpu.VMEM((CHUNK, CW), jnp.float32),
            pltpu.VMEM_SHARED((N_U, CW), jnp.float32),
            pltpu.VMEM((DRAIN, CW), jnp.float32),
            pltpu.SemaphoreType.DMA,
        ],
    )(_sc_edge_kernel)
    return f(sd, ecat, astack, bstack)


def _post_body(au_ref, av_ref, uf_ref, vf_ref,
               but_ref, bvt_ref, vuw_ref, vub_ref, vvw_ref, vvb_ref,
               hu_ref, hv_ref):
    for a_ref, x_ref, bt, vw, vb, o_ref in (
        (au_ref, uf_ref, but_ref, vuw_ref, vub_ref, hu_ref),
        (av_ref, vf_ref, bvt_ref, vvw_ref, vvb_ref, hv_ref),
    ):
        a = a_ref[...]
        s = a[:, 64:65]
        inv = jnp.where(s > 0, 1.0 / s, 0.0)
        o_ref[:, 0:64] = (
            jnp.dot(x_ref[...], vw[...], preferred_element_type=jnp.float32,
                    precision=lax.Precision.HIGHEST)
            + vb[...]
        )
        o_ref[:, 64:128] = a[:, 0:64] * inv + bt[...]


def _post(agg, u_feat, v_feat, but, bvt, vuw, vub, vvw, vvb):
    blk = 1000
    nb = N_U // blk
    full = lambda i: (0, 0)
    row = lambda i: (i, 0)
    return pl.pallas_call(
        _post_body,
        grid=(nb,),
        in_specs=[
            pl.BlockSpec((blk, CW), lambda i: (i, 0)),
            pl.BlockSpec((blk, CW), lambda i: (nb + i, 0)),
            pl.BlockSpec((blk, FDIM), row),
            pl.BlockSpec((blk, FDIM), row),
            pl.BlockSpec((1, 64), full),
            pl.BlockSpec((1, 64), full),
            pl.BlockSpec((FDIM, 64), full),
            pl.BlockSpec((1, 64), full),
            pl.BlockSpec((FDIM, 64), full),
            pl.BlockSpec((1, 64), full),
        ],
        out_specs=[
            pl.BlockSpec((blk, FDIM), row),
            pl.BlockSpec((blk, FDIM), row),
        ],
        out_shape=[
            jax.ShapeDtypeStruct((N_U, FDIM), jnp.float32),
            jax.ShapeDtypeStruct((N_V, FDIM), jnp.float32),
        ],
    )(agg, agg, u_feat, v_feat, but, bvt, vuw, vub, vvw, vvb)


def kernel(edge_index, e_feat, u_feat, v_feat, e_W, e_b, u_W, u_b, v_W, v_b,
           au_W, au_b, av_W, av_b, Wu_W, Wu_b, Wv_W, Wv_b,
           Vu_W, Vu_b, Vv_W, Vv_b):
    f32 = jnp.float32
    sd = jnp.concatenate([edge_index[0].astype(jnp.int32),
                          edge_index[1].astype(jnp.int32)])

    wa = jnp.stack([jnp.concatenate([au_W, u_W], axis=1),
                    jnp.concatenate([av_W, v_W], axis=1)])
    ba = jnp.stack([jnp.concatenate([au_b, u_b])[None],
                    jnp.concatenate([av_b, v_b])[None]])
    z64 = jnp.zeros((64,), f32)
    eye128 = jnp.eye(FDIM, dtype=f32)
    z128 = jnp.zeros((FDIM,), f32)
    wb = jnp.stack(
        [jnp.concatenate([eye128, Wu_W[:FDIM], v_W], axis=1),
         jnp.concatenate([eye128, Wv_W[:FDIM], u_W], axis=1)])
    bb = jnp.stack([jnp.concatenate([z128, z64, v_b])[None],
                    jnp.concatenate([z128, z64, u_b])[None]])
    astack, bstack = _node_tables(u_feat, v_feat, wa, ba, wb, bb)

    eye8 = jnp.eye(8, dtype=f32)
    eye16 = jnp.eye(EDIM, dtype=f32)
    z1616 = jnp.zeros((EDIM, EDIM), f32)
    we0 = jnp.concatenate([eye16, e_W, Wu_W[FDIM:]], axis=1)
    we1 = jnp.concatenate([eye16, Wv_W[FDIM:], z1616], axis=1)
    be0 = jnp.tile(jnp.concatenate([jnp.zeros((EDIM,), f32), e_b, z64]), 8)
    be1 = jnp.zeros((768,), f32)
    we = jnp.stack([jnp.kron(eye8, we0), jnp.kron(eye8, we1)])
    be = jnp.stack([be0[None], be1[None]])
    ecat = _eproj(e_feat.reshape(E8, 128), we, be).reshape(2 * E, EW)

    he, agg = _sc_edge(sd, ecat, astack, bstack)

    hu, hv = _post(agg, u_feat, v_feat,
                   Wu_b[None], Wv_b[None],
                   Vu_W, Vu_b[None], Vv_W, Vv_b[None])
    return (he, hu, hv)

# --- scband reference (transcript-rebuilt; emitter-appended) ---
"""Pipeline reference for scband-gasconv-29678224016150 (READ-ONLY COPY).

The authoritative reference and input builder live on the scoring server;
editing this copy changes nothing except your own understanding.
"""

import jax, jax.numpy as jnp
import numpy as np

N_U = 10000
N_V = 10000
E = 320000
E_IN = 16
U_IN = 128
V_IN = 128
E_OUT = 16
U_OUT = 128
V_OUT = 128
NU = U_OUT // 2
NV = V_OUT // 2


def _linear_params(key, din, dout):
    k1, k2 = jax.random.split(key)
    lim = 1.0 / np.sqrt(din)
    W = jax.random.uniform(k1, (din, dout), minval=-lim, maxval=lim, dtype=jnp.float32)
    b = jax.random.uniform(k2, (dout,), minval=-lim, maxval=lim, dtype=jnp.float32)
    return W, b


def setup_inputs(seed: int = 0) -> dict:
    key = jax.random.key(seed)
    ks = jax.random.split(key, 16)
    edge_index = jax.random.randint(ks[0], (2, E), 0, N_U, dtype=jnp.int64)
    e_feat = jax.random.normal(ks[1], (E, E_IN), dtype=jnp.float32)
    u_feat = jax.random.normal(ks[2], (N_U, U_IN), dtype=jnp.float32)
    v_feat = jax.random.normal(ks[3], (N_V, V_IN), dtype=jnp.float32)
    e_W, e_b = _linear_params(ks[4], E_IN, E_OUT)
    u_W, u_b = _linear_params(ks[5], U_IN, E_OUT)
    v_W, v_b = _linear_params(ks[6], V_IN, E_OUT)
    au_W, au_b = _linear_params(ks[7], U_IN, V_IN + E_IN)
    av_W, av_b = _linear_params(ks[8], V_IN, U_IN + E_IN)
    Wu_W, Wu_b = _linear_params(ks[9], V_IN + E_IN, NU)
    Wv_W, Wv_b = _linear_params(ks[10], U_IN + E_IN, NV)
    Vu_W, Vu_b = _linear_params(ks[11], U_IN, U_OUT - NU)
    Vv_W, Vv_b = _linear_params(ks[12], V_IN, V_OUT - NV)
    return {
        'edge_index': edge_index, 'e_feat': e_feat, 'u_feat': u_feat, 'v_feat': v_feat,
        'e_W': e_W, 'e_b': e_b, 'u_W': u_W, 'u_b': u_b, 'v_W': v_W, 'v_b': v_b,
        'au_W': au_W, 'au_b': au_b, 'av_W': av_W, 'av_b': av_b,
        'Wu_W': Wu_W, 'Wu_b': Wu_b, 'Wv_W': Wv_W, 'Wv_b': Wv_b,
        'Vu_W': Vu_W, 'Vu_b': Vu_b, 'Vv_W': Vv_W, 'Vv_b': Vv_b,
    }


def _segment_softmax(logits, seg, num):
    m = jax.ops.segment_max(logits, seg, num_segments=num)
    m = jnp.where(jnp.isfinite(m), m, 0.0)
    ex = jnp.exp(logits - m[seg])
    s = jax.ops.segment_sum(ex, seg, num_segments=num)
    return ex / s[seg]


def reference(edge_index, e_feat, u_feat, v_feat,
              e_W, e_b, u_W, u_b, v_W, v_b,
              au_W, au_b, av_W, av_b,
              Wu_W, Wu_b, Wv_W, Wv_b,
              Vu_W, Vu_b, Vv_W, Vv_b):
    # forward edges: u(src) -> v(dst); backward edges: v(dst) -> u(src), same e_feat
    src = edge_index[0]
    dst = edge_index[1]
    he_u = u_feat @ u_W + u_b            # [N_U, E_OUT]
    he_v = v_feat @ v_W + v_b            # [N_V, E_OUT]
    he_e = e_feat @ e_W + e_b            # [E, E_OUT]
    he = he_e + jnp.take(he_u, src, axis=0) + jnp.take(he_v, dst, axis=0)
    # activation is None -> identity
    # h_ve: backward edges, src node is v
    h_ve = jnp.concatenate([jnp.take(v_feat, dst, axis=0), e_feat], axis=-1)  # [E, V_IN+E_IN]
    # h_ue: forward edges, src node is u
    h_ue = jnp.concatenate([jnp.take(u_feat, src, axis=0), e_feat], axis=-1)  # [E, U_IN+E_IN]
    h_att_u = u_feat @ au_W + au_b       # [N_U, V_IN+E_IN]
    h_att_v = v_feat @ av_W + av_b       # [N_V, U_IN+E_IN]
    # e_dot_v: dot edge feature with dst-node feature
    edotv_back = jnp.sum(h_ve * jnp.take(h_att_u, src, axis=0), axis=-1)  # backward dst = u
    edotv_fwd = jnp.sum(h_ue * jnp.take(h_att_v, dst, axis=0), axis=-1)   # forward dst = v
    sfm_back = _segment_softmax(edotv_back, src, N_U)
    sfm_fwd = _segment_softmax(edotv_fwd, dst, N_V)
    attn_back = h_ve * sfm_back[:, None]
    attn_fwd = h_ue * sfm_fwd[:, None]
    agg_u = jax.ops.segment_sum(attn_back, src, num_segments=N_U)  # [N_U, V_IN+E_IN]
    agg_v = jax.ops.segment_sum(attn_fwd, dst, num_segments=N_V)   # [N_V, U_IN+E_IN]
    h_nu = agg_u @ Wu_W + Wu_b
    h_nv = agg_v @ Wv_W + Wv_b
    hu = jnp.concatenate([u_feat @ Vu_W + Vu_b, h_nu], axis=-1)
    hv = jnp.concatenate([v_feat @ Vv_W + Vv_b, h_nv], axis=-1)
    return (he, hu, hv)

if __name__ == "__main__":
    import jax
    _d = setup_inputs()
    print(jax.jit(kernel)(*tuple(_d.values())))

</pallas_src>

<mosaic_0001>
#map = affine_map<(d0, d1) -> (0)>
#map1 = affine_map<(d0, d1) -> (0, 0)>
module attributes {stable_mosaic.version = 14 : i64} {
  func.func @_sc_edge_kernel(%arg0: i32, %arg1: i32, %arg2: memref<640000xi32, #tpu.memory_space<hbm>>, %arg3: memref<640000x96xf32, #tpu.memory_space<hbm>>, %arg4: memref<20000x160xf32, #tpu.memory_space<hbm>>, %arg5: memref<20000x208xf32, #tpu.memory_space<hbm>>, %arg6: memref<320000x16xf32, #tpu.memory_space<hbm>>, %arg7: memref<20000x72xf32, #tpu.memory_space<hbm>>, %arg8: memref<80xi32, #tpu.memory_space<vmem>>, %arg9: memref<80xi32, #tpu.memory_space<vmem>>, %arg10: memref<80xi32, #tpu.memory_space<vmem>>, %arg11: memref<80xi32, #tpu.memory_space<vmem>>, %arg12: memref<80x160xf32, #tpu.memory_space<vmem>>, %arg13: memref<80x208xf32, #tpu.memory_space<vmem>>, %arg14: memref<80x96xf32, #tpu.memory_space<vmem>>, %arg15: memref<80x16xf32, #tpu.memory_space<vmem>>, %arg16: memref<80x72xf32, #tpu.memory_space<vmem>>, %arg17: memref<10000x72xf32, #tpu.memory_space<vmem_shared>>, %arg18: memref<80x72xf32, #tpu.memory_space<vmem>>, %arg19: memref<!tpu.dma_semaphore, #tpu.memory_space<semaphore_mem>>) attributes {dimension_semantics = [#tpu.dimension_semantics<core_parallel>, #tpu.dimension_semantics<subcore_parallel>], iteration_bounds = array<i64: 2, 16>, scalar_prefetch = 0 : i64, scratch_operands = 12 : i64, tpu.core_type = #tpu.core_type<sc_vector_subcore>, window_params = [{transform_indices = #map}, {transform_indices = #map1}, {transform_indices = #map1}, {transform_indices = #map1}, {transform_indices = #map1}, {transform_indices = #map1}]} {
    %mul3A = arith.constant 10000 : i32
    %mul3A_0 = arith.muli %arg0, %mul3A : i32
    %mul3A_1 = arith.constant 320000 : i32
    %mul3A_2 = arith.muli %arg0, %mul3A_1 : i32
    %sub3A = arith.constant 320000 : i32
    %sub3A_3 = arith.subi %sub3A, %mul3A_2 : i32
    %mul3A_4 = arith.constant 16 : i32
    %mul3A_5 = arith.muli %mul3A_4, %arg0 : i32
    %sub3A_6 = arith.constant 32 : i32
    %sub3A_7 = arith.subi %sub3A_6, %mul3A_5 : i32
    %broadcast_in_dim3A = arith.constant 0.000000e+00 : f32
    %broadcast_in_dim3A_8 = vector.broadcast %broadcast_in_dim3A : f32 to vector<16xf32>
    %scan3A = arith.constant 0 : i32
    %scan3A_9 = arith.constant 0 : i32
    %scan3A_10 = arith.constant 80 : i32
    %scan3A_11 = arith.addi %scan3A_9, %scan3A_10 : i32
    %scan3A_12 = arith.constant 1 : i32
    %scan3A_13 = scf.for %scan3A_44 = %scan3A_9 to %scan3A_11 step %scan3A_12 iter_args(%scan3A_45 = %scan3A) -> (i32)  : i32 {
      %swap3A = arith.index_cast %scan3A_44 : i32 to index
      %swap3A_46 = arith.constant 0 : index
      %swap3A_47 = tpu.vector_load %arg18[%swap3A, %swap3A_46] {strides = array<i32>} : memref<80x72xf32, #tpu.memory_space<vmem>>, vector<16xf32>,
      tpu.vector_store %arg18[%swap3A, %swap3A_46], %broadcast_in_dim3A_8 {strides = array<i32>} : memref<80x72xf32, #tpu.memory_space<vmem>>, vector<16xf32>,
      %swap3A_48 = arith.index_cast %scan3A_44 : i32 to index
      %swap3A_49 = arith.constant 16 : index
      %swap3A_50 = tpu.vector_load %arg18[%swap3A_48, %swap3A_49] {strides = array<i32>} : memref<80x72xf32, #tpu.memory_space<vmem>>, vector<16xf32>,
      tpu.vector_store %arg18[%swap3A_48, %swap3A_49], %broadcast_in_dim3A_8 {strides = array<i32>} : memref<80x72xf32, #tpu.memory_space<vmem>>, vector<16xf32>,
      %swap3A_51 = arith.index_cast %scan3A_44 : i32 to index
      %swap3A_52 = arith.constant 32 : index
      %swap3A_53 = tpu.vector_load %arg18[%swap3A_51, %swap3A_52] {strides = array<i32>} : memref<80x72xf32, #tpu.memory_space<vmem>>, vector<16xf32>,
      tpu.vector_store %arg18[%swap3A_51, %swap3A_52], %broadcast_in_dim3A_8 {strides = array<i32>} : memref<80x72xf32, #tpu.memory_space<vmem>>, vector<16xf32>,
      %swap3A_54 = arith.index_cast %scan3A_44 : i32 to index
      %swap3A_55 = arith.constant 48 : index
      %swap3A_56 = tpu.vector_load %arg18[%swap3A_54, %swap3A_55] {strides = array<i32>} : memref<80x72xf32, #tpu.memory_space<vmem>>, vector<16xf32>,
      tpu.vector_store %arg18[%swap3A_54, %swap3A_55], %broadcast_in_dim3A_8 {strides = array<i32>} : memref<80x72xf32, #tpu.memory_space<vmem>>, vector<16xf32>,
      %swap3A_57 = arith.index_cast %scan3A_44 : i32 to index
      %swap3A_58 = arith.constant 56 : index
      %swap3A_59 = tpu.vector_load %arg18[%swap3A_57, %swap3A_58] {strides = array<i32>} : memref<80x72xf32, #tpu.memory_space<vmem>>, vector<16xf32>,
      tpu.vector_store %arg18[%swap3A_57, %swap3A_58], %broadcast_in_dim3A_8 {strides = array<i32>} : memref<80x72xf32, #tpu.memory_space<vmem>>, vector<16xf32>,
      %scan3A_60 = arith.constant 0 : i32
      scf.yield %scan3A_60 : i32
    }
    %scan3A_14 = arith.constant 80 : i32
    %scan3A_15 = arith.constant 0 : i32
    %scan3A_16 = arith.constant 0 : i32
    %scan3A_17 = arith.constant 8 : i32
    %scan3A_18 = arith.addi %scan3A_16, %scan3A_17 : i32
    %scan3A_19 = arith.constant 1 : i32
    %scan3A_20 = scf.for %scan3A_44 = %scan3A_16 to %scan3A_18 step %scan3A_19 iter_args(%scan3A_45 = %scan3A_15) -> (i32)  : i32 {
      %mul3A_46 = arith.constant 16 : i32
      %mul3A_47 = arith.muli %scan3A_44, %mul3A_46 : i32
      %add3A = arith.addi %arg1, %mul3A_47 : i32
      %lt3A = arith.constant 125 : i32
      %lt3A_48 = arith.cmpi slt, %add3A, %lt3A : i32
      %convert_element_type3A = arith.extui %lt3A_48 : i1 to i32
      %cond3A = arith.constant 0 : i32
      %cond3A_49 = arith.cmpi ne, %convert_element_type3A, %cond3A : i32
      scf.if %cond3A_49 {
        %mul3A_51 = arith.constant 80 : i32
        %mul3A_52 = arith.muli %add3A, %mul3A_51 : i32
        %multiple_of3A = tpu.assume_multiple %mul3A_52, 8 : i32
        "tpu.region"() ({
          %run_scoped3A = tpu.sem_alloc : memref<!tpu.dma_semaphore, #tpu.memory_space<semaphore_mem>>
          %dma_start3A = arith.constant 0 : i32
          %dma_start3A_53 = tpu.memref_slice %arg17[%multiple_of3A, %dma_start3A] : memref<10000x72xf32, #tpu.memory_space<vmem_shared>> -> memref<80x72xf32, #tpu.memory_space<vmem_shared>>
          %dma_start3A_54 = arith.constant 0 : i32
          %dma_start3A_55 = tpu.memref_slice %arg17[%multiple_of3A, %dma_start3A_54] : memref<10000x72xf32, #tpu.memory_space<vmem_shared>> -> memref<80x72xf32, #tpu.memory_space<vmem_shared>>
          tpu.enqueue_dma source(%arg18 : memref<80x72xf32, #tpu.memory_space<vmem>>) target(%dma_start3A_55 : memref<80x72xf32, #tpu.memory_space<vmem_shared>>) target_semaphore(%run_scoped3A : memref<!tpu.dma_semaphore, #tpu.memory_space<semaphore_mem>>)
          %dma_wait3A = arith.constant 0 : i32
          %dma_wait3A_56 = tpu.memref_slice %arg17[%multiple_of3A, %dma_wait3A] : memref<10000x72xf32, #tpu.memory_space<vmem_shared>> -> memref<80x72xf32, #tpu.memory_space<vmem_shared>>
          %dma_wait3A_57 = arith.constant 0 : i32
          %dma_wait3A_58 = tpu.memref_slice %arg17[%multiple_of3A, %dma_wait3A_57] : memref<10000x72xf32, #tpu.memory_space<vmem_shared>> -> memref<80x72xf32, #tpu.memory_space<vmem_shared>>
          tpu.wait_dma2 semaphore(%run_scoped3A : memref<!tpu.dma_semaphore, #tpu.memory_space<semaphore_mem>>) src(%arg18 : memref<80x72xf32, #tpu.memory_space<vmem>>) dst(%dma_wait3A_58 : memref<80x72xf32, #tpu.memory_space<vmem_shared>>)
          tpu.yield
        }) : () -> ()
      } else {
      }
      %scan3A_50 = arith.constant 0 : i32
      scf.yield %scan3A_50 : i32
    }
    %scan3A_21 = arith.constant 8 : i32
    %scan3A_22 = arith.constant 0 : i32
    %scan3A_23 = arith.constant 0 : i32
    %scan3A_24 = arith.constant 80 : i32
    %scan3A_25 = arith.addi %scan3A_23, %scan3A_24 : i32
    %scan3A_26 = arith.constant 1 : i32
    %scan3A_27 = scf.for %scan3A_44 = %scan3A_23 to %scan3A_25 step %scan3A_26 iter_args(%scan3A_45 = %scan3A_22) -> (i32)  : i32 {
      %swap3A = arith.index_cast %scan3A_44 : i32 to index
      %swap3A_46 = arith.constant 56 : index
      %swap3A_47 = tpu.vector_load %arg16[%swap3A, %swap3A_46] {strides = array<i32>} : memref<80x72xf32, #tpu.memory_space<vmem>>, vector<16xf32>,
      tpu.vector_store %arg16[%swap3A, %swap3A_46], %broadcast_in_dim3A_8 {strides = array<i32>} : memref<80x72xf32, #tpu.memory_space<vmem>>, vector<16xf32>,
      %scan3A_48 = arith.constant 0 : i32
      scf.yield %scan3A_48 : i32
    }
    %scan3A_28 = arith.constant 80 : i32
    %barrier3A = arith.constant 0 : index
    tpu.barrier barrier_id(%barrier3A)
    %iota3A = tpu.iota {dimensions = array<i32: 0>} : vector<16xi32>
    %scan3A_29 = arith.constant 0 : i32
    %scan3A_30 = arith.constant 0 : i32
    %scan3A_31 = arith.constant 250 : i32
    %scan3A_32 = arith.addi %scan3A_30, %scan3A_31 : i32
    %scan3A_33 = arith.constant 1 : i32
    %scan3A_34 = scf.for %scan3A_44 = %scan3A_30 to %scan3A_32 step %scan3A_33 iter_args(%scan3A_45 = %scan3A_29) -> (i32)  : i32 {
      %mul3A_46 = arith.constant 20000 : i32
      %mul3A_47 = arith.muli %arg1, %mul3A_46 : i32
      %mul3A_48 = arith.constant 80 : i32
      %mul3A_49 = arith.muli %scan3A_44, %mul3A_48 : i32
      %add3A = arith.addi %mul3A_47, %mul3A_49 : i32
      %multiple_of3A = tpu.assume_multiple %add3A, 8 : i32
      %add3A_50 = arith.addi %mul3A_2, %multiple_of3A : i32
      "tpu.region"() ({
        %run_scoped3A = tpu.sem_alloc : memref<!tpu.dma_semaphore, #tpu.memory_space<semaphore_mem>>
        %dma_start3A_139 = tpu.memref_slice %arg2[%add3A_50] : memref<640000xi32, #tpu.memory_space<hbm>> -> memref<80xi32, #tpu.memory_space<hbm>>
        %dma_start3A_140 = tpu.memref_slice %arg2[%add3A_50] : memref<640000xi32, #tpu.memory_space<hbm>> -> memref<80xi32, #tpu.memory_space<hbm>>
        tpu.enqueue_dma source(%dma_start3A_140 : memref<80xi32, #tpu.memory_space<hbm>>) target(%arg8 : memref<80xi32, #tpu.memory_space<vmem>>) target_semaphore(%run_scoped3A : memref<!tpu.dma_semaphore, #tpu.memory_space<semaphore_mem>>)
        %dma_wait3A_141 = tpu.memref_slice %arg2[%add3A_50] : memref<640000xi32, #tpu.memory_space<hbm>> -> memref<80xi32, #tpu.memory_space<hbm>>
        %dma_wait3A_142 = tpu.memref_slice %arg2[%add3A_50] : memref<640000xi32, #tpu.memory_space<hbm>> -> memref<80xi32, #tpu.memory_space<hbm>>
        tpu.wait_dma2 semaphore(%run_scoped3A : memref<!tpu.dma_semaphore, #tpu.memory_space<semaphore_mem>>) src(%dma_wait3A_142 : memref<80xi32, #tpu.memory_space<hbm>>) dst(%arg8 : memref<80xi32, #tpu.memory_space<vmem>>)
        tpu.yield
      }) : () -> ()
      %add3A_51 = arith.addi %sub3A_3, %multiple_of3A : i32
      "tpu.region"() ({
        %run_scoped3A = tpu.sem_alloc : memref<!tpu.dma_semaphore, #tpu.memory_space<semaphore_mem>>
        %dma_start3A_139 = tpu.memref_slice %arg2[%add3A_51] : memref<640000xi32, #tpu.memory_space<hbm>> -> memref<80xi32, #tpu.memory_space<hbm>>
        %dma_start3A_140 = tpu.memref_slice %arg2[%add3A_51] : memref<640000xi32, #tpu.memory_space<hbm>> -> memref<80xi32, #tpu.memory_space<hbm>>
        tpu.enqueue_dma source(%dma_start3A_140 : memref<80xi32, #tpu.memory_space<hbm>>) target(%arg9 : memref<80xi32, #tpu.memory_space<vmem>>) target_semaphore(%run_scoped3A : memref<!tpu.dma_semaphore, #tpu.memory_space<semaphore_mem>>)
        %dma_wait3A_141 = tpu.memref_slice %arg2[%add3A_51] : memref<640000xi32, #tpu.memory_space<hbm>> -> memref<80xi32, #tpu.memory_space<hbm>>
        %dma_wait3A_142 = tpu.memref_slice %arg2[%add3A_51] : memref<640000xi32, #tpu.memory_space<hbm>> -> memref<80xi32, #tpu.memory_space<hbm>>
        tpu.wait_dma2 semaphore(%run_scoped3A : memref<!tpu.dma_semaphore, #tpu.memory_space<semaphore_mem>>) src(%dma_wait3A_142 : memref<80xi32, #tpu.memory_space<hbm>>) dst(%arg9 : memref<80xi32, #tpu.memory_space<vmem>>)
        tpu.yield
      }) : () -> ()
      %get3A = arith.constant 0 : index
      %get3A_52 = tpu.vector_load %arg8[%get3A] {strides = array<i32>} : memref<80xi32, #tpu.memory_space<vmem>>, vector<16xi32>,
      %add3A_53 = vector.broadcast %mul3A_0 : i32 to vector<16xi32>
      %add3A_54 = arith.addi %get3A_52, %add3A_53 : vector<16xi32>
      %swap3A = arith.constant 0 : index
      %swap3A_55 = tpu.vector_load %arg10[%swap3A] {strides = array<i32>} : memref<80xi32, #tpu.memory_space<vmem>>, vector<16xi32>,
      tpu.vector_store %arg10[%swap3A], %add3A_54 {strides = array<i32>} : memref<80xi32, #tpu.memory_space<vmem>>, vector<16xi32>,
      %get3A_56 = arith.constant 0 : index
      %get3A_57 = tpu.vector_load %arg9[%get3A_56] {strides = array<i32>} : memref<80xi32, #tpu.memory_space<vmem>>, vector<16xi32>,
      %add3A_58 = vector.broadcast %mul3A_0 : i32 to vector<16xi32>
      %add3A_59 = arith.addi %get3A_57, %add3A_58 : vector<16xi32>
      %swap3A_60 = arith.constant 0 : index
      %swap3A_61 = tpu.vector_load %arg11[%swap3A_60] {strides = array<i32>} : memref<80xi32, #tpu.memory_space<vmem>>, vector<16xi32>,
      tpu.vector_store %arg11[%swap3A_60], %add3A_59 {strides = array<i32>} : memref<80xi32, #tpu.memory_space<vmem>>, vector<16xi32>,
      %get3A_62 = arith.constant 16 : index
      %get3A_63 = tpu.vector_load %arg8[%get3A_62] {strides = array<i32>} : memref<80xi32, #tpu.memory_space<vmem>>, vector<16xi32>,
      %add3A_64 = vector.broadcast %mul3A_0 : i32 to vector<16xi32>
      %add3A_65 = arith.addi %get3A_63, %add3A_64 : vector<16xi32>
      %swap3A_66 = arith.constant 16 : index
      %swap3A_67 = tpu.vector_load %arg10[%swap3A_66] {strides = array<i32>} : memref<80xi32, #tpu.memory_space<vmem>>, vector<16xi32>,
      tpu.vector_store %arg10[%swap3A_66], %add3A_65 {strides = array<i32>} : memref<80xi32, #tpu.memory_space<vmem>>, vector<16xi32>,
      %get3A_68 = arith.constant 16 : index
      %get3A_69 = tpu.vector_load %arg9[%get3A_68] {strides = array<i32>} : memref<80xi32, #tpu.memory_space<vmem>>, vector<16xi32>,
      %add3A_70 = vector.broadcast %mul3A_0 : i32 to vector<16xi32>
      %add3A_71 = arith.addi %get3A_69, %add3A_70 : vector<16xi32>
      %swap3A_72 = arith.constant 16 : index
      %swap3A_73 = tpu.vector_load %arg11[%swap3A_72] {strides = array<i32>} : memref<80xi32, #tpu.memory_space<vmem>>, vector<16xi32>,
      tpu.vector_store %arg11[%swap3A_72], %add3A_71 {strides = array<i32>} : memref<80xi32, #tpu.memory_space<vmem>>, vector<16xi32>,
      %get3A_74 = arith.constant 32 : index
      %get3A_75 = tpu.vector_load %arg8[%get3A_74] {strides = array<i32>} : memref<80xi32, #tpu.memory_space<vmem>>, vector<16xi32>,
      %add3A_76 = vector.broadcast %mul3A_0 : i32 to vector<16xi32>
      %add3A_77 = arith.addi %get3A_75, %add3A_76 : vector<16xi32>
      %swap3A_78 = arith.constant 32 : index
      %swap3A_79 = tpu.vector_load %arg10[%swap3A_78] {strides = array<i32>} : memref<80xi32, #tpu.memory_space<vmem>>, vector<16xi32>,
      tpu.vector_store %arg10[%swap3A_78], %add3A_77 {strides = array<i32>} : memref<80xi32, #tpu.memory_space<vmem>>, vector<16xi32>,
      %get3A_80 = arith.constant 32 : index
      %get3A_81 = tpu.vector_load %arg9[%get3A_80] {strides = array<i32>} : memref<80xi32, #tpu.memory_space<vmem>>, vector<16xi32>,
      %add3A_82 = vector.broadcast %mul3A_0 : i32 to vector<16xi32>
      %add3A_83 = arith.addi %get3A_81, %add3A_82 : vector<16xi32>
      %swap3A_84 = arith.constant 32 : index
      %swap3A_85 = tpu.vector_load %arg11[%swap3A_84] {strides = array<i32>} : memref<80xi32, #tpu.memory_space<vmem>>, vector<16xi32>,
      tpu.vector_store %arg11[%swap3A_84], %add3A_83 {strides = array<i32>} : memref<80xi32, #tpu.memory_space<vmem>>, vector<16xi32>,
      %get3A_86 = arith.constant 48 : index
      %get3A_87 = tpu.vector_load %arg8[%get3A_86] {strides = array<i32>} : memref<80xi32, #tpu.memory_space<vmem>>, vector<16xi32>,
      %add3A_88 = vector.broadcast %mul3A_0 : i32 to vector<16xi32>
      %add3A_89 = arith.addi %get3A_87, %add3A_88 : vector<16xi32>
      %swap3A_90 = arith.constant 48 : index
      %swap3A_91 = tpu.vector_load %arg10[%swap3A_90] {strides = array<i32>} : memref<80xi32, #tpu.memory_space<vmem>>, vector<16xi32>,
      tpu.vector_store %arg10[%swap3A_90], %add3A_89 {strides = array<i32>} : memref<80xi32, #tpu.memory_space<vmem>>, vector<16xi32>,
      %get3A_92 = arith.constant 48 : index
      %get3A_93 = tpu.vector_load %arg9[%get3A_92] {strides = array<i32>} : memref<80xi32, #tpu.memory_space<vmem>>, vector<16xi32>,
      %add3A_94 = vector.broadcast %mul3A_0 : i32 to vector<16xi32>
      %add3A_95 = arith.addi %get3A_93, %add3A_94 : vector<16xi32>
      %swap3A_96 = arith.constant 48 : index
      %swap3A_97 = tpu.vector_load %arg11[%swap3A_96] {strides = array<i32>} : memref<80xi32, #tpu.memory_space<vmem>>, vector<16xi32>,
      tpu.vector_store %arg11[%swap3A_96], %add3A_95 {strides = array<i32>} : memref<80xi32, #tpu.memory_space<vmem>>, vector<16xi32>,
      %get3A_98 = arith.constant 64 : index
      %get3A_99 = tpu.vector_load %arg8[%get3A_98] {strides = array<i32>} : memref<80xi32, #tpu.memory_space<vmem>>, vector<16xi32>,
      %add3A_100 = vector.broadcast %mul3A_0 : i32 to vector<16xi32>
      %add3A_101 = arith.addi %get3A_99, %add3A_100 : vector<16xi32>
      %swap3A_102 = arith.constant 64 : index
      %swap3A_103 = tpu.vector_load %arg10[%swap3A_102] {strides = array<i32>} : memref<80xi32, #tpu.memory_space<vmem>>, vector<16xi32>,
      tpu.vector_store %arg10[%swap3A_102], %add3A_101 {strides = array<i32>} : memref<80xi32, #tpu.memory_space<vmem>>, vector<16xi32>,
      %get3A_104 = arith.constant 64 : index
      %get3A_105 = tpu.vector_load %arg9[%get3A_104] {strides = array<i32>} : memref<80xi32, #tpu.memory_space<vmem>>, vector<16xi32>,
      %add3A_106 = vector.broadcast %mul3A_0 : i32 to vector<16xi32>
      %add3A_107 = arith.addi %get3A_105, %add3A_106 : vector<16xi32>
      %swap3A_108 = arith.constant 64 : index
      %swap3A_109 = tpu.vector_load %arg11[%swap3A_108] {strides = array<i32>} : memref<80xi32, #tpu.memory_space<vmem>>, vector<16xi32>,
      tpu.vector_store %arg11[%swap3A_108], %add3A_107 {strides = array<i32>} : memref<80xi32, #tpu.memory_space<vmem>>, vector<16xi32>,
      %dma_start3A = arith.constant 0 : i32
      %dma_start3A_110 = arith.constant 0 : i32
      %dma_start3A_111 = tpu.memref_slice %arg4[%dma_start3A, %dma_start3A_110] : memref<20000x160xf32, #tpu.memory_space<hbm>> -> memref<20000x160xf32, #tpu.memory_space<hbm>>
      tpu.enqueue_indirect_dma source(%dma_start3A_111 : memref<20000x160xf32, #tpu.memory_space<hbm>>) target(%arg12 : memref<80x160xf32, #tpu.memory_space<vmem>>) offsets(%arg10 : memref<80xi32, #tpu.memory_space<vmem>>) semaphore(%arg19 : memref<!tpu.dma_semaphore, #tpu.memory_space<semaphore_mem>>)
      %dma_start3A_112 = arith.constant 0 : i32
      %dma_start3A_113 = arith.constant 0 : i32
      %dma_start3A_114 = tpu.memref_slice %arg5[%dma_start3A_112, %dma_start3A_113] : memref<20000x208xf32, #tpu.memory_space<hbm>> -> memref<20000x208xf32, #tpu.memory_space<hbm>>
      tpu.enqueue_indirect_dma source(%dma_start3A_114 : memref<20000x208xf32, #tpu.memory_space<hbm>>) target(%arg13 : memref<80x208xf32, #tpu.memory_space<vmem>>) offsets(%arg11 : memref<80xi32, #tpu.memory_space<vmem>>) semaphore(%arg19 : memref<!tpu.dma_semaphore, #tpu.memory_space<semaphore_mem>>)
      %add3A_115 = arith.addi %mul3A_2, %multiple_of3A : i32
      %dma_start3A_116 = arith.constant 0 : i32
      %dma_start3A_117 = tpu.memref_slice %arg3[%add3A_115, %dma_start3A_116] : memref<640000x96xf32, #tpu.memory_space<hbm>> -> memref<80x96xf32, #tpu.memory_space<hbm>>
      %dma_start3A_118 = arith.constant 0 : i32
      %dma_start3A_119 = tpu.memref_slice %arg3[%add3A_115, %dma_start3A_118] : memref<640000x96xf32, #tpu.memory_space<hbm>> -> memref<80x96xf32, #tpu.memory_space<hbm>>
      tpu.enqueue_dma source(%dma_start3A_119 : memref<80x96xf32, #tpu.memory_space<hbm>>) target(%arg14 : memref<80x96xf32, #tpu.memory_space<vmem>>) target_semaphore(%arg19 : memref<!tpu.dma_semaphore, #tpu.memory_space<semaphore_mem>>)
      %dma_wait3A = arith.constant 0 : i32
      %dma_wait3A_120 = arith.constant 0 : i32
      %dma_wait3A_121 = tpu.memref_slice %arg4[%dma_wait3A, %dma_wait3A_120] : memref<20000x160xf32, #tpu.memory_space<hbm>> -> memref<20000x160xf32, #tpu.memory_space<hbm>>
      tpu.wait_indirect_dma semaphore(%arg19 : memref<!tpu.dma_semaphore, #tpu.memory_space<semaphore_mem>>) src(%dma_wait3A_121 : memref<20000x160xf32, #tpu.memory_space<hbm>>) dst(%arg12 : memref<80x160xf32, #tpu.memory_space<vmem>>)
      %dma_wait3A_122 = arith.constant 0 : i32
      %dma_wait3A_123 = arith.constant 0 : i32
      %dma_wait3A_124 = tpu.memref_slice %arg5[%dma_wait3A_122, %dma_wait3A_123] : memref<20000x208xf32, #tpu.memory_space<hbm>> -> memref<20000x208xf32, #tpu.memory_space<hbm>>
      tpu.wait_indirect_dma semaphore(%arg19 : memref<!tpu.dma_semaphore, #tpu.memory_space<semaphore_mem>>) src(%dma_wait3A_124 : memref<20000x208xf32, #tpu.memory_space<hbm>>) dst(%arg13 : memref<80x208xf32, #tpu.memory_space<vmem>>)
      %dma_wait3A_125 = arith.constant 0 : i32
      %dma_wait3A_126 = tpu.memref_slice %arg3[%add3A_115, %dma_wait3A_125] : memref<640000x96xf32, #tpu.memory_space<hbm>> -> memref<80x96xf32, #tpu.memory_space<hbm>>
      %dma_wait3A_127 = arith.constant 0 : i32
      %dma_wait3A_128 = tpu.memref_slice %arg3[%add3A_115, %dma_wait3A_127] : memref<640000x96xf32, #tpu.memory_space<hbm>> -> memref<80x96xf32, #tpu.memory_space<hbm>>
      tpu.wait_dma2 semaphore(%arg19 : memref<!tpu.dma_semaphore, #tpu.memory_space<semaphore_mem>>) src(%dma_wait3A_128 : memref<80x96xf32, #tpu.memory_space<hbm>>) dst(%arg14 : memref<80x96xf32, #tpu.memory_space<vmem>>)
      %scan3A_129 = arith.constant 0 : i32
      %scan3A_130 = arith.constant 0 : i32
      %scan3A_131 = arith.constant 5 : i32
      %scan3A_132 = arith.addi %scan3A_130, %scan3A_131 : i32
      %scan3A_133 = arith.constant 1 : i32
      %scan3A_134 = scf.for %scan3A_139 = %scan3A_130 to %scan3A_132 step %scan3A_133 iter_args(%scan3A_140 = %scan3A_129) -> (i32)  : i32 {
        %mul3A_141 = arith.constant 16 : i32
        %mul3A_142 = arith.muli %scan3A_139, %mul3A_141 : i32
        %add3A_143 = vector.broadcast %mul3A_142 : i32 to vector<16xi32>
        %add3A_144 = arith.addi %iota3A, %add3A_143 : vector<16xi32>
        %mul3A_145 = arith.constant 0 : i32
        %mul3A_146 = vector.broadcast %mul3A_145 : i32 to vector<16xi32>
        %mul3A_147 = arith.muli %iota3A, %mul3A_146 : vector<16xi32>
        %scan3A_148 = arith.constant 0 : i32
        %scan3A_149 = arith.constant 128 : i32
        %scan3A_150 = arith.addi %scan3A_148, %scan3A_149 : i32
        %scan3A_151 = arith.constant 8 : i32
        %scan3A_152 = scf.for %scan3A_174 = %scan3A_148 to %scan3A_150 step %scan3A_151 iter_args(%scan3A_175 = %broadcast_in_dim3A_8) -> (vector<16xf32>)  : i32 {
          %add3A_176 = vector.broadcast %scan3A_174 : i32 to vector<16xi32>
          %add3A_177 = arith.addi %mul3A_147, %add3A_176 : vector<16xi32>
          %gather3A = tpu.vector_load_idx %arg12[%add3A_144, %add3A_177] : memref<80x160xf32, #tpu.memory_space<vmem>>[vector<16xi32>, vector<16xi32>], vector<16xf32>,
          %gather3A_178 = tpu.vector_load_idx %arg13[%add3A_144, %add3A_177] : memref<80x208xf32, #tpu.memory_space<vmem>>[vector<16xi32>, vector<16xi32>], vector<16xf32>,
          %mul3A_179 = arith.mulf %gather3A, %gather3A_178 : vector<16xf32>
          %add3A_180 = arith.addf %scan3A_175, %mul3A_179 : vector<16xf32>
          %scan3A_181 = arith.constant 1 : i32
          %scan3A_182 = arith.addi %scan3A_174, %scan3A_181 : i32
          %add3A_183 = vector.broadcast %scan3A_182 : i32 to vector<16xi32>
          %add3A_184 = arith.addi %mul3A_147, %add3A_183 : vector<16xi32>
          %gather3A_185 = tpu.vector_load_idx %arg12[%add3A_144, %add3A_184] : memref<80x160xf32, #tpu.memory_space<vmem>>[vector<16xi32>, vector<16xi32>], vector<16xf32>,
          %gather3A_186 = tpu.vector_load_idx %arg13[%add3A_144, %add3A_184] : memref<80x208xf32, #tpu.memory_space<vmem>>[vector<16xi32>, vector<16xi32>], vector<16xf32>,
          %mul3A_187 = arith.mulf %gather3A_185, %gather3A_186 : vector<16xf32>
          %add3A_188 = arith.addf %add3A_180, %mul3A_187 : vector<16xf32>
          %scan3A_189 = arith.constant 2 : i32
          %scan3A_190 = arith.addi %scan3A_174, %scan3A_189 : i32
          %add3A_191 = vector.broadcast %scan3A_190 : i32 to vector<16xi32>
          %add3A_192 = arith.addi %mul3A_147, %add3A_191 : vector<16xi32>
          %gather3A_193 = tpu.vector_load_idx %arg12[%add3A_144, %add3A_192] : memref<80x160xf32, #tpu.memory_space<vmem>>[vector<16xi32>, vector<16xi32>], vector<16xf32>,
          %gather3A_194 = tpu.vector_load_idx %arg13[%add3A_144, %add3A_192] : memref<80x208xf32, #tpu.memory_space<vmem>>[vector<16xi32>, vector<16xi32>], vector<16xf32>,
          %mul3A_195 = arith.mulf %gather3A_193, %gather3A_194 : vector<16xf32>
          %add3A_196 = arith.addf %add3A_188, %mul3A_195 : vector<16xf32>
          %scan3A_197 = arith.constant 3 : i32
          %scan3A_198 = arith.addi %scan3A_174, %scan3A_197 : i32
          %add3A_199 = vector.broadcast %scan3A_198 : i32 to vector<16xi32>
          %add3A_200 = arith.addi %mul3A_147, %add3A_199 : vector<16xi32>
          %gather3A_201 = tpu.vector_load_idx %arg12[%add3A_144, %add3A_200] : memref<80x160xf32, #tpu.memory_space<vmem>>[vector<16xi32>, vector<16xi32>], vector<16xf32>,
          %gather3A_202 = tpu.vector_load_idx %arg13[%add3A_144, %add3A_200] : memref<80x208xf32, #tpu.memory_space<vmem>>[vector<16xi32>, vector<16xi32>], vector<16xf32>,
          %mul3A_203 = arith.mulf %gather3A_201, %gather3A_202 : vector<16xf32>
          %add3A_204 = arith.addf %add3A_196, %mul3A_203 : vector<16xf32>
          %scan3A_205 = arith.constant 4 : i32
          %scan3A_206 = arith.addi %scan3A_174, %scan3A_205 : i32
          %add3A_207 = vector.broadcast %scan3A_206 : i32 to vector<16xi32>
          %add3A_208 = arith.addi %mul3A_147, %add3A_207 : vector<16xi32>
          %gather3A_209 = tpu.vector_load_idx %arg12[%add3A_144, %add3A_208] : memref<80x160xf32, #tpu.memory_space<vmem>>[vector<16xi32>, vector<16xi32>], vector<16xf32>,
          %gather3A_210 = tpu.vector_load_idx %arg13[%add3A_144, %add3A_208] : memref<80x208xf32, #tpu.memory_space<vmem>>[vector<16xi32>, vector<16xi32>], vector<16xf32>,
          %mul3A_211 = arith.mulf %gather3A_209, %gather3A_210 : vector<16xf32>
          %add3A_212 = arith.addf %add3A_204, %mul3A_211 : vector<16xf32>
          %scan3A_213 = arith.constant 5 : i32
          %scan3A_214 = arith.addi %scan3A_174, %scan3A_213 : i32
          %add3A_215 = vector.broadcast %scan3A_214 : i32 to vector<16xi32>
          %add3A_216 = arith.addi %mul3A_147, %add3A_215 : vector<16xi32>
          %gather3A_217 = tpu.vector_load_idx %arg12[%add3A_144, %add3A_216] : memref<80x160xf32, #tpu.memory_space<vmem>>[vector<16xi32>, vector<16xi32>], vector<16xf32>,
          %gather3A_218 = tpu.vector_load_idx %arg13[%add3A_144, %add3A_216] : memref<80x208xf32, #tpu.memory_space<vmem>>[vector<16xi32>, vector<16xi32>], vector<16xf32>,
          %mul3A_219 = arith.mulf %gather3A_217, %gather3A_218 : vector<16xf32>
          %add3A_220 = arith.addf %add3A_212, %mul3A_219 : vector<16xf32>
          %scan3A_221 = arith.constant 6 : i32
          %scan3A_222 = arith.addi %scan3A_174, %scan3A_221 : i32
          %add3A_223 = vector.broadcast %scan3A_222 : i32 to vector<16xi32>
          %add3A_224 = arith.addi %mul3A_147, %add3A_223 : vector<16xi32>
          %gather3A_225 = tpu.vector_load_idx %arg12[%add3A_144, %add3A_224] : memref<80x160xf32, #tpu.memory_space<vmem>>[vector<16xi32>, vector<16xi32>], vector<16xf32>,
          %gather3A_226 = tpu.vector_load_idx %arg13[%add3A_144, %add3A_224] : memref<80x208xf32, #tpu.memory_space<vmem>>[vector<16xi32>, vector<16xi32>], vector<16xf32>,
          %mul3A_227 = arith.mulf %gather3A_225, %gather3A_226 : vector<16xf32>
          %add3A_228 = arith.addf %add3A_220, %mul3A_227 : vector<16xf32>
          %scan3A_229 = arith.constant 7 : i32
          %scan3A_230 = arith.addi %scan3A_174, %scan3A_229 : i32
          %add3A_231 = vector.broadcast %scan3A_230 : i32 to vector<16xi32>
          %add3A_232 = arith.addi %mul3A_147, %add3A_231 : vector<16xi32>
          %gather3A_233 = tpu.vector_load_idx %arg12[%add3A_144, %add3A_232] : memref<80x160xf32, #tpu.memory_space<vmem>>[vector<16xi32>, vector<16xi32>], vector<16xf32>,
          %gather3A_234 = tpu.vector_load_idx %arg13[%add3A_144, %add3A_232] : memref<80x208xf32, #tpu.memory_space<vmem>>[vector<16xi32>, vector<16xi32>], vector<16xf32>,
          %mul3A_235 = arith.mulf %gather3A_233, %gather3A_234 : vector<16xf32>
          %add3A_236 = arith.addf %add3A_228, %mul3A_235 : vector<16xf32>
          scf.yield %add3A_236 : vector<16xf32>
        }
        %scan3A_153 = arith.constant 128 : i32
        %scan3A_154 = arith.constant 0 : i32
        %scan3A_155 = arith.constant 16 : i32
        %scan3A_156 = arith.addi %scan3A_154, %scan3A_155 : i32
        %scan3A_157 = arith.constant 8 : i32
        %scan3A_158 = scf.for %scan3A_174 = %scan3A_154 to %scan3A_156 step %scan3A_157 iter_args(%scan3A_175 = %scan3A_152) -> (vector<16xf32>)  : i32 {
          %add3A_176 = vector.broadcast %scan3A_174 : i32 to vector<16xi32>
          %add3A_177 = arith.addi %mul3A_147, %add3A_176 : vector<16xi32>
          %gather3A = tpu.vector_load_idx %arg14[%add3A_144, %add3A_177] : memref<80x96xf32, #tpu.memory_space<vmem>>[vector<16xi32>, vector<16xi32>], vector<16xf32>,
          %add3A_178 = arith.constant 128 : i32
          %add3A_179 = vector.broadcast %add3A_178 : i32 to vector<16xi32>
          %add3A_180 = arith.addi %add3A_177, %add3A_179 : vector<16xi32>
          %gather3A_181 = tpu.vector_load_idx %arg12[%add3A_144, %add3A_180] : memref<80x160xf32, #tpu.memory_space<vmem>>[vector<16xi32>, vector<16xi32>], vector<16xf32>,
          %mul3A_182 = arith.mulf %gather3A, %gather3A_181 : vector<16xf32>
          %add3A_183 = arith.addf %scan3A_175, %mul3A_182 : vector<16xf32>
          %scan3A_184 = arith.constant 1 : i32
          %scan3A_185 = arith.addi %scan3A_174, %scan3A_184 : i32
          %add3A_186 = vector.broadcast %scan3A_185 : i32 to vector<16xi32>
          %add3A_187 = arith.addi %mul3A_147, %add3A_186 : vector<16xi32>
          %gather3A_188 = tpu.vector_load_idx %arg14[%add3A_144, %add3A_187] : memref<80x96xf32, #tpu.memory_space<vmem>>[vector<16xi32>, vector<16xi32>], vector<16xf32>,
          %add3A_189 = arith.constant 128 : i32
          %add3A_190 = vector.broadcast %add3A_189 : i32 to vector<16xi32>
          %add3A_191 = arith.addi %add3A_187, %add3A_190 : vector<16xi32>
          %gather3A_192 = tpu.vector_load_idx %arg12[%add3A_144, %add3A_191] : memref<80x160xf32, #tpu.memory_space<vmem>>[vector<16xi32>, vector<16xi32>], vector<16xf32>,
          %mul3A_193 = arith.mulf %gather3A_188, %gather3A_192 : vector<16xf32>
          %add3A_194 = arith.addf %add3A_183, %mul3A_193 : vector<16xf32>
          %scan3A_195 = arith.constant 2 : i32
          %scan3A_196 = arith.addi %scan3A_174, %scan3A_195 : i32
          %add3A_197 = vector.broadcast %scan3A_196 : i32 to vector<16xi32>
          %add3A_198 = arith.addi %mul3A_147, %add3A_197 : vector<16xi32>
          %gather3A_199 = tpu.vector_load_idx %arg14[%add3A_144, %add3A_198] : memref<80x96xf32, #tpu.memory_space<vmem>>[vector<16xi32>, vector<16xi32>], vector<16xf32>,
          %add3A_200 = arith.constant 128 : i32
          %add3A_201 = vector.broadcast %add3A_200 : i32 to vector<16xi32>
          %add3A_202 = arith.addi %add3A_198, %add3A_201 : vector<16xi32>
          %gather3A_203 = tpu.vector_load_idx %arg12[%add3A_144, %add3A_202] : memref<80x160xf32, #tpu.memory_space<vmem>>[vector<16xi32>, vector<16xi32>], vector<16xf32>,
          %mul3A_204 = arith.mulf %gather3A_199, %gather3A_203 : vector<16xf32>
          %add3A_205 = arith.addf %add3A_194, %mul3A_204 : vector<16xf32>
          %scan3A_206 = arith.constant 3 : i32
          %scan3A_207 = arith.addi %scan3A_174, %scan3A_206 : i32
          %add3A_208 = vector.broadcast %scan3A_207 : i32 to vector<16xi32>
          %add3A_209 = arith.addi %mul3A_147, %add3A_208 : vector<16xi32>
          %gather3A_210 = tpu.vector_load_idx %arg14[%add3A_144, %add3A_209] : memref<80x96xf32, #tpu.memory_space<vmem>>[vector<16xi32>, vector<16xi32>], vector<16xf32>,
          %add3A_211 = arith.constant 128 : i32
          %add3A_212 = vector.broadcast %add3A_211 : i32 to vector<16xi32>
          %add3A_213 = arith.addi %add3A_209, %add3A_212 : vector<16xi32>
          %gather3A_214 = tpu.vector_load_idx %arg12[%add3A_144, %add3A_213] : memref<80x160xf32, #tpu.memory_space<vmem>>[vector<16xi32>, vector<16xi32>], vector<16xf32>,
          %mul3A_215 = arith.mulf %gather3A_210, %gather3A_214 : vector<16xf32>
          %add3A_216 = arith.addf %add3A_205, %mul3A_215 : vector<16xf32>
          %scan3A_217 = arith.constant 4 : i32
          %scan3A_218 = arith.addi %scan3A_174, %scan3A_217 : i32
          %add3A_219 = vector.broadcast %scan3A_218 : i32 to vector<16xi32>
          %add3A_220 = arith.addi %mul3A_147, %add3A_219 : vector<16xi32>
          %gather3A_221 = tpu.vector_load_idx %arg14[%add3A_144, %add3A_220] : memref<80x96xf32, #tpu.memory_space<vmem>>[vector<16xi32>, vector<16xi32>], vector<16xf32>,
          %add3A_222 = arith.constant 128 : i32
          %add3A_223 = vector.broadcast %add3A_222 : i32 to vector<16xi32>
          %add3A_224 = arith.addi %add3A_220, %add3A_223 : vector<16xi32>
          %gather3A_225 = tpu.vector_load_idx %arg12[%add3A_144, %add3A_224] : memref<80x160xf32, #tpu.memory_space<vmem>>[vector<16xi32>, vector<16xi32>], vector<16xf32>,
          %mul3A_226 = arith.mulf %gather3A_221, %gather3A_225 : vector<16xf32>
          %add3A_227 = arith.addf %add3A_216, %mul3A_226 : vector<16xf32>
          %scan3A_228 = arith.constant 5 : i32
          %scan3A_229 = arith.addi %scan3A_174, %scan3A_228 : i32
          %add3A_230 = vector.broadcast %scan3A_229 : i32 to vector<16xi32>
          %add3A_231 = arith.addi %mul3A_147, %add3A_230 : vector<16xi32>
          %gather3A_232 = tpu.vector_load_idx %arg14[%add3A_144, %add3A_231] : memref<80x96xf32, #tpu.memory_space<vmem>>[vector<16xi32>, vector<16xi32>], vector<16xf32>,
          %add3A_233 = arith.constant 128 : i32
          %add3A_234 = vector.broadcast %add3A_233 : i32 to vector<16xi32>
          %add3A_235 = arith.addi %add3A_231, %add3A_234 : vector<16xi32>
          %gather3A_236 = tpu.vector_load_idx %arg12[%add3A_144, %add3A_235] : memref<80x160xf32, #tpu.memory_space<vmem>>[vector<16xi32>, vector<16xi32>], vector<16xf32>,
          %mul3A_237 = arith.mulf %gather3A_232, %gather3A_236 : vector<16xf32>
          %add3A_238 = arith.addf %add3A_227, %mul3A_237 : vector<16xf32>
          %scan3A_239 = arith.constant 6 : i32
          %scan3A_240 = arith.addi %scan3A_174, %scan3A_239 : i32
          %add3A_241 = vector.broadcast %scan3A_240 : i32 to vector<16xi32>
          %add3A_242 = arith.addi %mul3A_147, %add3A_241 : vector<16xi32>
          %gather3A_243 = tpu.vector_load_idx %arg14[%add3A_144, %add3A_242] : memref<80x96xf32, #tpu.memory_space<vmem>>[vector<16xi32>, vector<16xi32>], vector<16xf32>,
          %add3A_244 = arith.constant 128 : i32
          %add3A_245 = vector.broadcast %add3A_244 : i32 to vector<16xi32>
          %add3A_246 = arith.addi %add3A_242, %add3A_245 : vector<16xi32>
          %gather3A_247 = tpu.vector_load_idx %arg12[%add3A_144, %add3A_246] : memref<80x160xf32, #tpu.memory_space<vmem>>[vector<16xi32>, vector<16xi32>], vector<16xf32>,
          %mul3A_248 = arith.mulf %gather3A_243, %gather3A_247 : vector<16xf32>
          %add3A_249 = arith.addf %add3A_238, %mul3A_248 : vector<16xf32>
          %scan3A_250 = arith.constant 7 : i32
          %scan3A_251 = arith.addi %scan3A_174, %scan3A_250 : i32
          %add3A_252 = vector.broadcast %scan3A_251 : i32 to vector<16xi32>
          %add3A_253 = arith.addi %mul3A_147, %add3A_252 : vector<16xi32>
          %gather3A_254 = tpu.vector_load_idx %arg14[%add3A_144, %add3A_253] : memref<80x96xf32, #tpu.memory_space<vmem>>[vector<16xi32>, vector<16xi32>], vector<16xf32>,
          %add3A_255 = arith.constant 128 : i32
          %add3A_256 = vector.broadcast %add3A_255 : i32 to vector<16xi32>
          %add3A_257 = arith.addi %add3A_253, %add3A_256 : vector<16xi32>
          %gather3A_258 = tpu.vector_load_idx %arg12[%add3A_144, %add3A_257] : memref<80x160xf32, #tpu.memory_space<vmem>>[vector<16xi32>, vector<16xi32>], vector<16xf32>,
          %mul3A_259 = arith.mulf %gather3A_254, %gather3A_258 : vector<16xf32>
          %add3A_260 = arith.addf %add3A_249, %mul3A_259 : vector<16xf32>
          scf.yield %add3A_260 : vector<16xf32>
        }
        %scan3A_159 = arith.constant 16 : i32
        %exp3A = math.exp %scan3A_158 : vector<16xf32>
        %scan3A_160 = arith.constant 0 : i32
        %scan3A_161 = arith.constant 64 : i32
        %scan3A_162 = arith.addi %scan3A_160, %scan3A_161 : i32
        %scan3A_163 = arith.constant 8 : i32
        scf.for %scan3A_174 = %scan3A_160 to %scan3A_162 step %scan3A_163  : i32 {
          %add3A_175 = vector.broadcast %scan3A_174 : i32 to vector<16xi32>
          %add3A_176 = arith.addi %mul3A_147, %add3A_175 : vector<16xi32>
          %add3A_177 = arith.constant 128 : i32
          %add3A_178 = vector.broadcast %add3A_177 : i32 to vector<16xi32>
          %add3A_179 = arith.addi %add3A_176, %add3A_178 : vector<16xi32>
          %gather3A = tpu.vector_load_idx %arg13[%add3A_144, %add3A_179] : memref<80x208xf32, #tpu.memory_space<vmem>>[vector<16xi32>, vector<16xi32>], vector<16xf32>,
          %add3A_180 = vector.broadcast %sub3A_7 : i32 to vector<16xi32>
          %add3A_181 = arith.addi %add3A_176, %add3A_180 : vector<16xi32>
          %gather3A_182 = tpu.vector_load_idx %arg14[%add3A_144, %add3A_181] : memref<80x96xf32, #tpu.memory_space<vmem>>[vector<16xi32>, vector<16xi32>], vector<16xf32>,
          %add3A_183 = arith.addf %gather3A, %gather3A_182 : vector<16xf32>
          %mul3A_184 = arith.mulf %exp3A, %add3A_183 : vector<16xf32>
          tpu.vector_store_idx %arg16[%add3A_144, %add3A_176], %mul3A_184 : memref<80x72xf32, #tpu.memory_space<vmem>>[vector<16xi32>, vector<16xi32>], vector<16xf32>,
          %scan3A_185 = arith.constant 1 : i32
          %scan3A_186 = arith.addi %scan3A_174, %scan3A_185 : i32
          %add3A_187 = vector.broadcast %scan3A_186 : i32 to vector<16xi32>
          %add3A_188 = arith.addi %mul3A_147, %add3A_187 : vector<16xi32>
          %add3A_189 = arith.constant 128 : i32
          %add3A_190 = vector.broadcast %add3A_189 : i32 to vector<16xi32>
          %add3A_191 = arith.addi %add3A_188, %add3A_190 : vector<16xi32>
          %gather3A_192 = tpu.vector_load_idx %arg13[%add3A_144, %add3A_191] : memref<80x208xf32, #tpu.memory_space<vmem>>[vector<16xi32>, vector<16xi32>], vector<16xf32>,
          %add3A_193 = vector.broadcast %sub3A_7 : i32 to vector<16xi32>
          %add3A_194 = arith.addi %add3A_188, %add3A_193 : vector<16xi32>
          %gather3A_195 = tpu.vector_load_idx %arg14[%add3A_144, %add3A_194] : memref<80x96xf32, #tpu.memory_space<vmem>>[vector<16xi32>, vector<16xi32>], vector<16xf32>,
          %add3A_196 = arith.addf %gather3A_192, %gather3A_195 : vector<16xf32>
          %mul3A_197 = arith.mulf %exp3A, %add3A_196 : vector<16xf32>
          tpu.vector_store_idx %arg16[%add3A_144, %add3A_188], %mul3A_197 : memref<80x72xf32, #tpu.memory_space<vmem>>[vector<16xi32>, vector<16xi32>], vector<16xf32>,
          %scan3A_198 = arith.constant 2 : i32
          %scan3A_199 = arith.addi %scan3A_174, %scan3A_198 : i32
          %add3A_200 = vector.broadcast %scan3A_199 : i32 to vector<16xi32>
          %add3A_201 = arith.addi %mul3A_147, %add3A_200 : vector<16xi32>
          %add3A_202 = arith.constant 128 : i32
          %add3A_203 = vector.broadcast %add3A_202 : i32 to vector<16xi32>
          %add3A_204 = arith.addi %add3A_201, %add3A_203 : vector<16xi32>
          %gather3A_205 = tpu.vector_load_idx %arg13[%add3A_144, %add3A_204] : memref<80x208xf32, #tpu.memory_space<vmem>>[vector<16xi32>, vector<16xi32>], vector<16xf32>,
          %add3A_206 = vector.broadcast %sub3A_7 : i32 to vector<16xi32>
          %add3A_207 = arith.addi %add3A_201, %add3A_206 : vector<16xi32>
          %gather3A_208 = tpu.vector_load_idx %arg14[%add3A_144, %add3A_207] : memref<80x96xf32, #tpu.memory_space<vmem>>[vector<16xi32>, vector<16xi32>], vector<16xf32>,
          %add3A_209 = arith.addf %gather3A_205, %gather3A_208 : vector<16xf32>
          %mul3A_210 = arith.mulf %exp3A, %add3A_209 : vector<16xf32>
          tpu.vector_store_idx %arg16[%add3A_144, %add3A_201], %mul3A_210 : memref<80x72xf32, #tpu.memory_space<vmem>>[vector<16xi32>, vector<16xi32>], vector<16xf32>,
          %scan3A_211 = arith.constant 3 : i32
          %scan3A_212 = arith.addi %scan3A_174, %scan3A_211 : i32
          %add3A_213 = vector.broadcast %scan3A_212 : i32 to vector<16xi32>
          %add3A_214 = arith.addi %mul3A_147, %add3A_213 : vector<16xi32>
          %add3A_215 = arith.constant 128 : i32
          %add3A_216 = vector.broadcast %add3A_215 : i32 to vector<16xi32>
          %add3A_217 = arith.addi %add3A_214, %add3A_216 : vector<16xi32>
          %gather3A_218 = tpu.vector_load_idx %arg13[%add3A_144, %add3A_217] : memref<80x208xf32, #tpu.memory_space<vmem>>[vector<16xi32>, vector<16xi32>], vector<16xf32>,
          %add3A_219 = vector.broadcast %sub3A_7 : i32 to vector<16xi32>
          %add3A_220 = arith.addi %add3A_214, %add3A_219 : vector<16xi32>
          %gather3A_221 = tpu.vector_load_idx %arg14[%add3A_144, %add3A_220] : memref<80x96xf32, #tpu.memory_space<vmem>>[vector<16xi32>, vector<16xi32>], vector<16xf32>,
          %add3A_222 = arith.addf %gather3A_218, %gather3A_221 : vector<16xf32>
          %mul3A_223 = arith.mulf %exp3A, %add3A_222 : vector<16xf32>
          tpu.vector_store_idx %arg16[%add3A_144, %add3A_214], %mul3A_223 : memref<80x72xf32, #tpu.memory_space<vmem>>[vector<16xi32>, vector<16xi32>], vector<16xf32>,
          %scan3A_224 = arith.constant 4 : i32
          %scan3A_225 = arith.addi %scan3A_174, %scan3A_224 : i32
          %add3A_226 = vector.broadcast %scan3A_225 : i32 to vector<16xi32>
          %add3A_227 = arith.addi %mul3A_147, %add3A_226 : vector<16xi32>
          %add3A_228 = arith.constant 128 : i32
          %add3A_229 = vector.broadcast %add3A_228 : i32 to vector<16xi32>
          %add3A_230 = arith.addi %add3A_227, %add3A_229 : vector<16xi32>
          %gather3A_231 = tpu.vector_load_idx %arg13[%add3A_144, %add3A_230] : memref<80x208xf32, #tpu.memory_space<vmem>>[vector<16xi32>, vector<16xi32>], vector<16xf32>,
          %add3A_232 = vector.broadcast %sub3A_7 : i32 to vector<16xi32>
          %add3A_233 = arith.addi %add3A_227, %add3A_232 : vector<16xi32>
          %gather3A_234 = tpu.vector_load_idx %arg14[%add3A_144, %add3A_233] : memref<80x96xf32, #tpu.memory_space<vmem>>[vector<16xi32>, vector<16xi32>], vector<16xf32>,
          %add3A_235 = arith.addf %gather3A_231, %gather3A_234 : vector<16xf32>
          %mul3A_236 = arith.mulf %exp3A, %add3A_235 : vector<16xf32>
          tpu.vector_store_idx %arg16[%add3A_144, %add3A_227], %mul3A_236 : memref<80x72xf32, #tpu.memory_space<vmem>>[vector<16xi32>, vector<16xi32>], vector<16xf32>,
          %scan3A_237 = arith.constant 5 : i32
          %scan3A_238 = arith.addi %scan3A_174, %scan3A_237 : i32
          %add3A_239 = vector.broadcast %scan3A_238 : i32 to vector<16xi32>
          %add3A_240 = arith.addi %mul3A_147, %add3A_239 : vector<16xi32>
          %add3A_241 = arith.constant 128 : i32
          %add3A_242 = vector.broadcast %add3A_241 : i32 to vector<16xi32>
          %add3A_243 = arith.addi %add3A_240, %add3A_242 : vector<16xi32>
          %gather3A_244 = tpu.vector_load_idx %arg13[%add3A_144, %add3A_243] : memref<80x208xf32, #tpu.memory_space<vmem>>[vector<16xi32>, vector<16xi32>], vector<16xf32>,
          %add3A_245 = vector.broadcast %sub3A_7 : i32 to vector<16xi32>
          %add3A_246 = arith.addi %add3A_240, %add3A_245 : vector<16xi32>
          %gather3A_247 = tpu.vector_load_idx %arg14[%add3A_144, %add3A_246] : memref<80x96xf32, #tpu.memory_space<vmem>>[vector<16xi32>, vector<16xi32>], vector<16xf32>,
          %add3A_248 = arith.addf %gather3A_244, %gather3A_247 : vector<16xf32>
          %mul3A_249 = arith.mulf %exp3A, %add3A_248 : vector<16xf32>
          tpu.vector_store_idx %arg16[%add3A_144, %add3A_240], %mul3A_249 : memref<80x72xf32, #tpu.memory_space<vmem>>[vector<16xi32>, vector<16xi32>], vector<16xf32>,
          %scan3A_250 = arith.constant 6 : i32
          %scan3A_251 = arith.addi %scan3A_174, %scan3A_250 : i32
          %add3A_252 = vector.broadcast %scan3A_251 : i32 to vector<16xi32>
          %add3A_253 = arith.addi %mul3A_147, %add3A_252 : vector<16xi32>
          %add3A_254 = arith.constant 128 : i32
          %add3A_255 = vector.broadcast %add3A_254 : i32 to vector<16xi32>
          %add3A_256 = arith.addi %add3A_253, %add3A_255 : vector<16xi32>
          %gather3A_257 = tpu.vector_load_idx %arg13[%add3A_144, %add3A_256] : memref<80x208xf32, #tpu.memory_space<vmem>>[vector<16xi32>, vector<16xi32>], vector<16xf32>,
          %add3A_258 = vector.broadcast %sub3A_7 : i32 to vector<16xi32>
          %add3A_259 = arith.addi %add3A_253, %add3A_258 : vector<16xi32>
          %gather3A_260 = tpu.vector_load_idx %arg14[%add3A_144, %add3A_259] : memref<80x96xf32, #tpu.memory_space<vmem>>[vector<16xi32>, vector<16xi32>], vector<16xf32>,
          %add3A_261 = arith.addf %gather3A_257, %gather3A_260 : vector<16xf32>
          %mul3A_262 = arith.mulf %exp3A, %add3A_261 : vector<16xf32>
          tpu.vector_store_idx %arg16[%add3A_144, %add3A_253], %mul3A_262 : memref<80x72xf32, #tpu.memory_space<vmem>>[vector<16xi32>, vector<16xi32>], vector<16xf32>,
          %scan3A_263 = arith.constant 7 : i32
          %scan3A_264 = arith.addi %scan3A_174, %scan3A_263 : i32
          %add3A_265 = vector.broadcast %scan3A_264 : i32 to vector<16xi32>
          %add3A_266 = arith.addi %mul3A_147, %add3A_265 : vector<16xi32>
          %add3A_267 = arith.constant 128 : i32
          %add3A_268 = vector.broadcast %add3A_267 : i32 to vector<16xi32>
          %add3A_269 = arith.addi %add3A_266, %add3A_268 : vector<16xi32>
          %gather3A_270 = tpu.vector_load_idx %arg13[%add3A_144, %add3A_269] : memref<80x208xf32, #tpu.memory_space<vmem>>[vector<16xi32>, vector<16xi32>], vector<16xf32>,
          %add3A_271 = vector.broadcast %sub3A_7 : i32 to vector<16xi32>
          %add3A_272 = arith.addi %add3A_266, %add3A_271 : vector<16xi32>
          %gather3A_273 = tpu.vector_load_idx %arg14[%add3A_144, %add3A_272] : memref<80x96xf32, #tpu.memory_space<vmem>>[vector<16xi32>, vector<16xi32>], vector<16xf32>,
          %add3A_274 = arith.addf %gather3A_270, %gather3A_273 : vector<16xf32>
          %mul3A_275 = arith.mulf %exp3A, %add3A_274 : vector<16xf32>
          tpu.vector_store_idx %arg16[%add3A_144, %add3A_266], %mul3A_275 : memref<80x72xf32, #tpu.memory_space<vmem>>[vector<16xi32>, vector<16xi32>], vector<16xf32>,
        }
        %scan3A_164 = arith.constant 64 : i32
        %add3A_165 = arith.constant 64 : i32
        %add3A_166 = vector.broadcast %add3A_165 : i32 to vector<16xi32>
        %add3A_167 = arith.addi %mul3A_147, %add3A_166 : vector<16xi32>
        tpu.vector_store_idx %arg16[%add3A_144, %add3A_167], %exp3A : memref<80x72xf32, #tpu.memory_space<vmem>>[vector<16xi32>, vector<16xi32>], vector<16xf32>,
        %eq3A_168 = arith.constant 0 : i32
        %eq3A_169 = arith.cmpi eq, %arg0, %eq3A_168 : i32
        %convert_element_type3A_170 = arith.extui %eq3A_169 : i1 to i32
        %cond3A_171 = arith.constant 0 : i32
        %cond3A_172 = arith.cmpi ne, %convert_element_type3A_170, %cond3A_171 : i32
        scf.if %cond3A_172 {
          %scan3A_174 = arith.constant 0 : i32
          %scan3A_175 = arith.constant 0 : i32
          %scan3A_176 = arith.constant 16 : i32
          %scan3A_177 = arith.addi %scan3A_175, %scan3A_176 : i32
          %scan3A_178 = arith.constant 8 : i32
          %scan3A_179 = scf.for %scan3A_181 = %scan3A_175 to %scan3A_177 step %scan3A_178 iter_args(%scan3A_182 = %scan3A_174) -> (i32)  : i32 {
            %add3A_183 = vector.broadcast %scan3A_181 : i32 to vector<16xi32>
            %add3A_184 = arith.addi %mul3A_147, %add3A_183 : vector<16xi32>
            %add3A_185 = arith.constant 16 : i32
            %add3A_186 = vector.broadcast %add3A_185 : i32 to vector<16xi32>
            %add3A_187 = arith.addi %add3A_184, %add3A_186 : vector<16xi32>
            %gather3A = tpu.vector_load_idx %arg14[%add3A_144, %add3A_187] : memref<80x96xf32, #tpu.memory_space<vmem>>[vector<16xi32>, vector<16xi32>], vector<16xf32>,
            %add3A_188 = arith.constant 144 : i32
            %add3A_189 = vector.broadcast %add3A_188 : i32 to vector<16xi32>
            %add3A_190 = arith.addi %add3A_184, %add3A_189 : vector<16xi32>
            %gather3A_191 = tpu.vector_load_idx %arg12[%add3A_144, %add3A_190] : memref<80x160xf32, #tpu.memory_space<vmem>>[vector<16xi32>, vector<16xi32>], vector<16xf32>,
            %add3A_192 = arith.addf %gather3A, %gather3A_191 : vector<16xf32>
            %add3A_193 = arith.constant 192 : i32
            %add3A_194 = vector.broadcast %add3A_193 : i32 to vector<16xi32>
            %add3A_195 = arith.addi %add3A_184, %add3A_194 : vector<16xi32>
            %gather3A_196 = tpu.vector_load_idx %arg13[%add3A_144, %add3A_195] : memref<80x208xf32, #tpu.memory_space<vmem>>[vector<16xi32>, vector<16xi32>], vector<16xf32>,
            %add3A_197 = arith.addf %add3A_192, %gather3A_196 : vector<16xf32>
            tpu.vector_store_idx %arg15[%add3A_144, %add3A_184], %add3A_197 : memref<80x16xf32, #tpu.memory_space<vmem>>[vector<16xi32>, vector<16xi32>], vector<16xf32>,
            %scan3A_198 = arith.constant 0 : i32
            %scan3A_199 = arith.constant 1 : i32
            %scan3A_200 = arith.addi %scan3A_181, %scan3A_199 : i32
            %add3A_201 = vector.broadcast %scan3A_200 : i32 to vector<16xi32>
            %add3A_202 = arith.addi %mul3A_147, %add3A_201 : vector<16xi32>
            %add3A_203 = arith.constant 16 : i32
            %add3A_204 = vector.broadcast %add3A_203 : i32 to vector<16xi32>
            %add3A_205 = arith.addi %add3A_202, %add3A_204 : vector<16xi32>
            %gather3A_206 = tpu.vector_load_idx %arg14[%add3A_144, %add3A_205] : memref<80x96xf32, #tpu.memory_space<vmem>>[vector<16xi32>, vector<16xi32>], vector<16xf32>,
            %add3A_207 = arith.constant 144 : i32
            %add3A_208 = vector.broadcast %add3A_207 : i32 to vector<16xi32>
            %add3A_209 = arith.addi %add3A_202, %add3A_208 : vector<16xi32>
            %gather3A_210 = tpu.vector_load_idx %arg12[%add3A_144, %add3A_209] : memref<80x160xf32, #tpu.memory_space<vmem>>[vector<16xi32>, vector<16xi32>], vector<16xf32>,
            %add3A_211 = arith.addf %gather3A_206, %gather3A_210 : vector<16xf32>
            %add3A_212 = arith.constant 192 : i32
            %add3A_213 = vector.broadcast %add3A_212 : i32 to vector<16xi32>
            %add3A_214 = arith.addi %add3A_202, %add3A_213 : vector<16xi32>
            %gather3A_215 = tpu.vector_load_idx %arg13[%add3A_144, %add3A_214] : memref<80x208xf32, #tpu.memory_space<vmem>>[vector<16xi32>, vector<16xi32>], vector<16xf32>,
            %add3A_216 = arith.addf %add3A_211, %gather3A_215 : vector<16xf32>
            tpu.vector_store_idx %arg15[%add3A_144, %add3A_202], %add3A_216 : memref<80x16xf32, #tpu.memory_space<vmem>>[vector<16xi32>, vector<16xi32>], vector<16xf32>,
            %scan3A_217 = arith.constant 0 : i32
            %scan3A_218 = arith.constant 2 : i32
            %scan3A_219 = arith.addi %scan3A_181, %scan3A_218 : i32
            %add3A_220 = vector.broadcast %scan3A_219 : i32 to vector<16xi32>
            %add3A_221 = arith.addi %mul3A_147, %add3A_220 : vector<16xi32>
            %add3A_222 = arith.constant 16 : i32
            %add3A_223 = vector.broadcast %add3A_222 : i32 to vector<16xi32>
            %add3A_224 = arith.addi %add3A_221, %add3A_223 : vector<16xi32>
            %gather3A_225 = tpu.vector_load_idx %arg14[%add3A_144, %add3A_224] : memref<80x96xf32, #tpu.memory_space<vmem>>[vector<16xi32>, vector<16xi32>], vector<16xf32>,
            %add3A_226 = arith.constant 144 : i32
            %add3A_227 = vector.broadcast %add3A_226 : i32 to vector<16xi32>
            %add3A_228 = arith.addi %add3A_221, %add3A_227 : vector<16xi32>
            %gather3A_229 = tpu.vector_load_idx %arg12[%add3A_144, %add3A_228] : memref<80x160xf32, #tpu.memory_space<vmem>>[vector<16xi32>, vector<16xi32>], vector<16xf32>,
            %add3A_230 = arith.addf %gather3A_225, %gather3A_229 : vector<16xf32>
            %add3A_231 = arith.constant 192 : i32
            %add3A_232 = vector.broadcast %add3A_231 : i32 to vector<16xi32>
            %add3A_233 = arith.addi %add3A_221, %add3A_232 : vector<16xi32>
            %gather3A_234 = tpu.vector_load_idx %arg13[%add3A_144, %add3A_233] : memref<80x208xf32, #tpu.memory_space<vmem>>[vector<16xi32>, vector<16xi32>], vector<16xf32>,
            %add3A_235 = arith.addf %add3A_230, %gather3A_234 : vector<16xf32>
            tpu.vector_store_idx %arg15[%add3A_144, %add3A_221], %add3A_235 : memref<80x16xf32, #tpu.memory_space<vmem>>[vector<16xi32>, vector<16xi32>], vector<16xf32>,
            %scan3A_236 = arith.constant 0 : i32
            %scan3A_237 = arith.constant 3 : i32
            %scan3A_238 = arith.addi %scan3A_181, %scan3A_237 : i32
            %add3A_239 = vector.broadcast %scan3A_238 : i32 to vector<16xi32>
            %add3A_240 = arith.addi %mul3A_147, %add3A_239 : vector<16xi32>
            %add3A_241 = arith.constant 16 : i32
            %add3A_242 = vector.broadcast %add3A_241 : i32 to vector<16xi32>
            %add3A_243 = arith.addi %add3A_240, %add3A_242 : vector<16xi32>
            %gather3A_244 = tpu.vector_load_idx %arg14[%add3A_144, %add3A_243] : memref<80x96xf32, #tpu.memory_space<vmem>>[vector<16xi32>, vector<16xi32>], vector<16xf32>,
            %add3A_245 = arith.constant 144 : i32
            %add3A_246 = vector.broadcast %add3A_245 : i32 to vector<16xi32>
            %add3A_247 = arith.addi %add3A_240, %add3A_246 : vector<16xi32>
            %gather3A_248 = tpu.vector_load_idx %arg12[%add3A_144, %add3A_247] : memref<80x160xf32, #tpu.memory_space<vmem>>[vector<16xi32>, vector<16xi32>], vector<16xf32>,
            %add3A_249 = arith.addf %gather3A_244, %gather3A_248 : vector<16xf32>
            %add3A_250 = arith.constant 192 : i32
            %add3A_251 = vector.broadcast %add3A_250 : i32 to vector<16xi32>
            %add3A_252 = arith.addi %add3A_240, %add3A_251 : vector<16xi32>
            %gather3A_253 = tpu.vector_load_idx %arg13[%add3A_144, %add3A_252] : memref<80x208xf32, #tpu.memory_space<vmem>>[vector<16xi32>, vector<16xi32>], vector<16xf32>,
            %add3A_254 = arith.addf %add3A_249, %gather3A_253 : vector<16xf32>
            tpu.vector_store_idx %arg15[%add3A_144, %add3A_240], %add3A_254 : memref<80x16xf32, #tpu.memory_space<vmem>>[vector<16xi32>, vector<16xi32>], vector<16xf32>,
            %scan3A_255 = arith.constant 0 : i32
            %scan3A_256 = arith.constant 4 : i32
            %scan3A_257 = arith.addi %scan3A_181, %scan3A_256 : i32
            %add3A_258 = vector.broadcast %scan3A_257 : i32 to vector<16xi32>
            %add3A_259 = arith.addi %mul3A_147, %add3A_258 : vector<16xi32>
            %add3A_260 = arith.constant 16 : i32
            %add3A_261 = vector.broadcast %add3A_260 : i32 to vector<16xi32>
            %add3A_262 = arith.addi %add3A_259, %add3A_261 : vector<16xi32>
            %gather3A_263 = tpu.vector_load_idx %arg14[%add3A_144, %add3A_262] : memref<80x96xf32, #tpu.memory_space<vmem>>[vector<16xi32>, vector<16xi32>], vector<16xf32>,
            %add3A_264 = arith.constant 144 : i32
            %add3A_265 = vector.broadcast %add3A_264 : i32 to vector<16xi32>
            %add3A_266 = arith.addi %add3A_259, %add3A_265 : vector<16xi32>
            %gather3A_267 = tpu.vector_load_idx %arg12[%add3A_144, %add3A_266] : memref<80x160xf32, #tpu.memory_space<vmem>>[vector<16xi32>, vector<16xi32>], vector<16xf32>,
            %add3A_268 = arith.addf %gather3A_263, %gather3A_267 : vector<16xf32>
            %add3A_269 = arith.constant 192 : i32
            %add3A_270 = vector.broadcast %add3A_269 : i32 to vector<16xi32>
            %add3A_271 = arith.addi %add3A_259, %add3A_270 : vector<16xi32>
            %gather3A_272 = tpu.vector_load_idx %arg13[%add3A_144, %add3A_271] : memref<80x208xf32, #tpu.memory_space<vmem>>[vector<16xi32>, vector<16xi32>], vector<16xf32>,
            %add3A_273 = arith.addf %add3A_268, %gather3A_272 : vector<16xf32>
            tpu.vector_store_idx %arg15[%add3A_144, %add3A_259], %add3A_273 : memref<80x16xf32, #tpu.memory_space<vmem>>[vector<16xi32>, vector<16xi32>], vector<16xf32>,
            %scan3A_274 = arith.constant 0 : i32
            %scan3A_275 = arith.constant 5 : i32
            %scan3A_276 = arith.addi %scan3A_181, %scan3A_275 : i32
            %add3A_277 = vector.broadcast %scan3A_276 : i32 to vector<16xi32>
            %add3A_278 = arith.addi %mul3A_147, %add3A_277 : vector<16xi32>
            %add3A_279 = arith.constant 16 : i32
            %add3A_280 = vector.broadcast %add3A_279 : i32 to vector<16xi32>
            %add3A_281 = arith.addi %add3A_278, %add3A_280 : vector<16xi32>
            %gather3A_282 = tpu.vector_load_idx %arg14[%add3A_144, %add3A_281] : memref<80x96xf32, #tpu.memory_space<vmem>>[vector<16xi32>, vector<16xi32>], vector<16xf32>,
            %add3A_283 = arith.constant 144 : i32
            %add3A_284 = vector.broadcast %add3A_283 : i32 to vector<16xi32>
            %add3A_285 = arith.addi %add3A_278, %add3A_284 : vector<16xi32>
            %gather3A_286 = tpu.vector_load_idx %arg12[%add3A_144, %add3A_285] : memref<80x160xf32, #tpu.memory_space<vmem>>[vector<16xi32>, vector<16xi32>], vector<16xf32>,
            %add3A_287 = arith.addf %gather3A_282, %gather3A_286 : vector<16xf32>
            %add3A_288 = arith.constant 192 : i32
            %add3A_289 = vector.broadcast %add3A_288 : i32 to vector<16xi32>
            %add3A_290 = arith.addi %add3A_278, %add3A_289 : vector<16xi32>
            %gather3A_291 = tpu.vector_load_idx %arg13[%add3A_144, %add3A_290] : memref<80x208xf32, #tpu.memory_space<vmem>>[vector<16xi32>, vector<16xi32>], vector<16xf32>,
            %add3A_292 = arith.addf %add3A_287, %gather3A_291 : vector<16xf32>
            tpu.vector_store_idx %arg15[%add3A_144, %add3A_278], %add3A_292 : memref<80x16xf32, #tpu.memory_space<vmem>>[vector<16xi32>, vector<16xi32>], vector<16xf32>,
            %scan3A_293 = arith.constant 0 : i32
            %scan3A_294 = arith.constant 6 : i32
            %scan3A_295 = arith.addi %scan3A_181, %scan3A_294 : i32
            %add3A_296 = vector.broadcast %scan3A_295 : i32 to vector<16xi32>
            %add3A_297 = arith.addi %mul3A_147, %add3A_296 : vector<16xi32>
            %add3A_298 = arith.constant 16 : i32
            %add3A_299 = vector.broadcast %add3A_298 : i32 to vector<16xi32>
            %add3A_300 = arith.addi %add3A_297, %add3A_299 : vector<16xi32>
            %gather3A_301 = tpu.vector_load_idx %arg14[%add3A_144, %add3A_300] : memref<80x96xf32, #tpu.memory_space<vmem>>[vector<16xi32>, vector<16xi32>], vector<16xf32>,
            %add3A_302 = arith.constant 144 : i32
            %add3A_303 = vector.broadcast %add3A_302 : i32 to vector<16xi32>
            %add3A_304 = arith.addi %add3A_297, %add3A_303 : vector<16xi32>
            %gather3A_305 = tpu.vector_load_idx %arg12[%add3A_144, %add3A_304] : memref<80x160xf32, #tpu.memory_space<vmem>>[vector<16xi32>, vector<16xi32>], vector<16xf32>,
            %add3A_306 = arith.addf %gather3A_301, %gather3A_305 : vector<16xf32>
            %add3A_307 = arith.constant 192 : i32
            %add3A_308 = vector.broadcast %add3A_307 : i32 to vector<16xi32>
            %add3A_309 = arith.addi %add3A_297, %add3A_308 : vector<16xi32>
            %gather3A_310 = tpu.vector_load_idx %arg13[%add3A_144, %add3A_309] : memref<80x208xf32, #tpu.memory_space<vmem>>[vector<16xi32>, vector<16xi32>], vector<16xf32>,
            %add3A_311 = arith.addf %add3A_306, %gather3A_310 : vector<16xf32>
            tpu.vector_store_idx %arg15[%add3A_144, %add3A_297], %add3A_311 : memref<80x16xf32, #tpu.memory_space<vmem>>[vector<16xi32>, vector<16xi32>], vector<16xf32>,
            %scan3A_312 = arith.constant 0 : i32
            %scan3A_313 = arith.constant 7 : i32
            %scan3A_314 = arith.addi %scan3A_181, %scan3A_313 : i32
            %add3A_315 = vector.broadcast %scan3A_314 : i32 to vector<16xi32>
            %add3A_316 = arith.addi %mul3A_147, %add3A_315 : vector<16xi32>
            %add3A_317 = arith.constant 16 : i32
            %add3A_318 = vector.broadcast %add3A_317 : i32 to vector<16xi32>
            %add3A_319 = arith.addi %add3A_316, %add3A_318 : vector<16xi32>
            %gather3A_320 = tpu.vector_load_idx %arg14[%add3A_144, %add3A_319] : memref<80x96xf32, #tpu.memory_space<vmem>>[vector<16xi32>, vector<16xi32>], vector<16xf32>,
            %add3A_321 = arith.constant 144 : i32
            %add3A_322 = vector.broadcast %add3A_321 : i32 to vector<16xi32>
            %add3A_323 = arith.addi %add3A_316, %add3A_322 : vector<16xi32>
            %gather3A_324 = tpu.vector_load_idx %arg12[%add3A_144, %add3A_323] : memref<80x160xf32, #tpu.memory_space<vmem>>[vector<16xi32>, vector<16xi32>], vector<16xf32>,
            %add3A_325 = arith.addf %gather3A_320, %gather3A_324 : vector<16xf32>
            %add3A_326 = arith.constant 192 : i32
            %add3A_327 = vector.broadcast %add3A_326 : i32 to vector<16xi32>
            %add3A_328 = arith.addi %add3A_316, %add3A_327 : vector<16xi32>
            %gather3A_329 = tpu.vector_load_idx %arg13[%add3A_144, %add3A_328] : memref<80x208xf32, #tpu.memory_space<vmem>>[vector<16xi32>, vector<16xi32>], vector<16xf32>,
            %add3A_330 = arith.addf %add3A_325, %gather3A_329 : vector<16xf32>
            tpu.vector_store_idx %arg15[%add3A_144, %add3A_316], %add3A_330 : memref<80x16xf32, #tpu.memory_space<vmem>>[vector<16xi32>, vector<16xi32>], vector<16xf32>,
            %scan3A_331 = arith.constant 0 : i32
            scf.yield %scan3A_331 : i32
          }
          %scan3A_180 = arith.constant 16 : i32
        } else {
        }
        %scan3A_173 = arith.constant 0 : i32
        scf.yield %scan3A_173 : i32
      }
      %scan3A_135 = arith.constant 5 : i32
      %eq3A = arith.constant 0 : i32
      %eq3A_136 = arith.cmpi eq, %arg0, %eq3A : i32
      %convert_element_type3A = arith.extui %eq3A_136 : i1 to i32
      %cond3A = arith.constant 0 : i32
      %cond3A_137 = arith.cmpi ne, %convert_element_type3A, %cond3A : i32
      scf.if %cond3A_137 {
        "tpu.region"() ({
          %run_scoped3A = tpu.sem_alloc : memref<!tpu.dma_semaphore, #tpu.memory_space<semaphore_mem>>
          %dma_start3A_139 = arith.constant 0 : i32
          %dma_start3A_140 = tpu.memref_slice %arg6[%multiple_of3A, %dma_start3A_139] : memref<320000x16xf32, #tpu.memory_space<hbm>> -> memref<80x16xf32, #tpu.memory_space<hbm>>
          %dma_start3A_141 = arith.constant 0 : i32
          %dma_start3A_142 = tpu.memref_slice %arg6[%multiple_of3A, %dma_start3A_141] : memref<320000x16xf32, #tpu.memory_space<hbm>> -> memref<80x16xf32, #tpu.memory_space<hbm>>
          tpu.enqueue_dma source(%arg15 : memref<80x16xf32, #tpu.memory_space<vmem>>) target(%dma_start3A_142 : memref<80x16xf32, #tpu.memory_space<hbm>>) target_semaphore(%run_scoped3A : memref<!tpu.dma_semaphore, #tpu.memory_space<semaphore_mem>>)
          %dma_wait3A_143 = arith.constant 0 : i32
          %dma_wait3A_144 = tpu.memref_slice %arg6[%multiple_of3A, %dma_wait3A_143] : memref<320000x16xf32, #tpu.memory_space<hbm>> -> memref<80x16xf32, #tpu.memory_space<hbm>>
          %dma_wait3A_145 = arith.constant 0 : i32
          %dma_wait3A_146 = tpu.memref_slice %arg6[%multiple_of3A, %dma_wait3A_145] : memref<320000x16xf32, #tpu.memory_space<hbm>> -> memref<80x16xf32, #tpu.memory_space<hbm>>
          tpu.wait_dma2 semaphore(%run_scoped3A : memref<!tpu.dma_semaphore, #tpu.memory_space<semaphore_mem>>) src(%arg15 : memref<80x16xf32, #tpu.memory_space<vmem>>) dst(%dma_wait3A_146 : memref<80x16xf32, #tpu.memory_space<hbm>>)
          tpu.yield
        }) : () -> ()
      } else {
      }
      "tpu.region"() ({
        %run_scoped3A = tpu.sem_alloc : memref<!tpu.dma_semaphore, #tpu.memory_space<semaphore_mem>>
        %dma_start3A_139 = arith.constant 0 : i32
        %dma_start3A_140 = arith.constant 0 : i32
        %dma_start3A_141 = tpu.memref_slice %arg17[%dma_start3A_139, %dma_start3A_140] : memref<10000x72xf32, #tpu.memory_space<vmem_shared>> -> memref<10000x72xf32, #tpu.memory_space<vmem_shared>>
        tpu.enqueue_indirect_dma source(%arg16 : memref<80x72xf32, #tpu.memory_space<vmem>>) target(%dma_start3A_141 : memref<10000x72xf32, #tpu.memory_space<vmem_shared>>) offsets(%arg8 : memref<80xi32, #tpu.memory_space<vmem>>) semaphore(%run_scoped3A : memref<!tpu.dma_semaphore, #tpu.memory_space<semaphore_mem>>) {add = true}
        %dma_wait3A_142 = arith.constant 0 : i32
        %dma_wait3A_143 = arith.constant 0 : i32
        %dma_wait3A_144 = tpu.memref_slice %arg17[%dma_wait3A_142, %dma_wait3A_143] : memref<10000x72xf32, #tpu.memory_space<vmem_shared>> -> memref<10000x72xf32, #tpu.memory_space<vmem_shared>>
        tpu.wait_indirect_dma semaphore(%run_scoped3A : memref<!tpu.dma_semaphore, #tpu.memory_space<semaphore_mem>>) src(%arg16 : memref<80x72xf32, #tpu.memory_space<vmem>>) dst(%dma_wait3A_144 : memref<10000x72xf32, #tpu.memory_space<vmem_shared>>)
        tpu.yield
      }) : () -> ()
      %scan3A_138 = arith.constant 0 : i32
      scf.yield %scan3A_138 : i32
    }
    %scan3A_35 = arith.constant 250 : i32
    %barrier3A_36 = arith.constant 0 : index
    tpu.barrier barrier_id(%barrier3A_36)
    %scan3A_37 = arith.constant 0 : i32
    %scan3A_38 = arith.constant 0 : i32
    %scan3A_39 = arith.constant 8 : i32
    %scan3A_40 = arith.addi %scan3A_38, %scan3A_39 : i32
    %scan3A_41 = arith.constant 1 : i32
    %scan3A_42 = scf.for %scan3A_44 = %scan3A_38 to %scan3A_40 step %scan3A_41 iter_args(%scan3A_45 = %scan3A_37) -> (i32)  : i32 {
      %mul3A_46 = arith.constant 16 : i32
      %mul3A_47 = arith.muli %scan3A_44, %mul3A_46 : i32
      %add3A = arith.addi %arg1, %mul3A_47 : i32
      %lt3A = arith.constant 125 : i32
      %lt3A_48 = arith.cmpi slt, %add3A, %lt3A : i32
      %convert_element_type3A = arith.extui %lt3A_48 : i1 to i32
      %cond3A = arith.constant 0 : i32
      %cond3A_49 = arith.cmpi ne, %convert_element_type3A, %cond3A : i32
      scf.if %cond3A_49 {
        %mul3A_51 = arith.constant 80 : i32
        %mul3A_52 = arith.muli %add3A, %mul3A_51 : i32
        %multiple_of3A = tpu.assume_multiple %mul3A_52, 8 : i32
        %mul3A_53 = arith.constant 80 : i32
        %mul3A_54 = arith.muli %add3A, %mul3A_53 : i32
        %add3A_55 = arith.addi %mul3A_0, %mul3A_54 : i32
        %multiple_of3A_56 = tpu.assume_multiple %add3A_55, 8 : i32
        "tpu.region"() ({
          %run_scoped3A = tpu.sem_alloc : memref<!tpu.dma_semaphore, #tpu.memory_space<semaphore_mem>>
          %dma_start3A = arith.constant 0 : i32
          %dma_start3A_57 = tpu.memref_slice %arg17[%multiple_of3A, %dma_start3A] : memref<10000x72xf32, #tpu.memory_space<vmem_shared>> -> memref<80x72xf32, #tpu.memory_space<vmem_shared>>
          %dma_start3A_58 = arith.constant 0 : i32
          %dma_start3A_59 = tpu.memref_slice %arg17[%multiple_of3A, %dma_start3A_58] : memref<10000x72xf32, #tpu.memory_space<vmem_shared>> -> memref<80x72xf32, #tpu.memory_space<vmem_shared>>
          tpu.enqueue_dma source(%dma_start3A_59 : memref<80x72xf32, #tpu.memory_space<vmem_shared>>) target(%arg18 : memref<80x72xf32, #tpu.memory_space<vmem>>) target_semaphore(%run_scoped3A : memref<!tpu.dma_semaphore, #tpu.memory_space<semaphore_mem>>)
          %dma_wait3A = arith.constant 0 : i32
          %dma_wait3A_60 = tpu.memref_slice %arg17[%multiple_of3A, %dma_wait3A] : memref<10000x72xf32, #tpu.memory_space<vmem_shared>> -> memref<80x72xf32, #tpu.memory_space<vmem_shared>>
          %dma_wait3A_61 = arith.constant 0 : i32
          %dma_wait3A_62 = tpu.memref_slice %arg17[%multiple_of3A, %dma_wait3A_61] : memref<10000x72xf32, #tpu.memory_space<vmem_shared>> -> memref<80x72xf32, #tpu.memory_space<vmem_shared>>
          tpu.wait_dma2 semaphore(%run_scoped3A : memref<!tpu.dma_semaphore, #tpu.memory_space<semaphore_mem>>) src(%dma_wait3A_62 : memref<80x72xf32, #tpu.memory_space<vmem_shared>>) dst(%arg18 : memref<80x72xf32, #tpu.memory_space<vmem>>)
          tpu.yield
        }) : () -> ()
        "tpu.region"() ({
          %run_scoped3A = tpu.sem_alloc : memref<!tpu.dma_semaphore, #tpu.memory_space<semaphore_mem>>
          %dma_start3A = arith.constant 0 : i32
          %dma_start3A_57 = tpu.memref_slice %arg7[%multiple_of3A_56, %dma_start3A] : memref<20000x72xf32, #tpu.memory_space<hbm>> -> memref<80x72xf32, #tpu.memory_space<hbm>>
          %dma_start3A_58 = arith.constant 0 : i32
          %dma_start3A_59 = tpu.memref_slice %arg7[%multiple_of3A_56, %dma_start3A_58] : memref<20000x72xf32, #tpu.memory_space<hbm>> -> memref<80x72xf32, #tpu.memory_space<hbm>>
          tpu.enqueue_dma source(%arg18 : memref<80x72xf32, #tpu.memory_space<vmem>>) target(%dma_start3A_59 : memref<80x72xf32, #tpu.memory_space<hbm>>) target_semaphore(%run_scoped3A : memref<!tpu.dma_semaphore, #tpu.memory_space<semaphore_mem>>)
          %dma_wait3A = arith.constant 0 : i32
          %dma_wait3A_60 = tpu.memref_slice %arg7[%multiple_of3A_56, %dma_wait3A] : memref<20000x72xf32, #tpu.memory_space<hbm>> -> memref<80x72xf32, #tpu.memory_space<hbm>>
          %dma_wait3A_61 = arith.constant 0 : i32
          %dma_wait3A_62 = tpu.memref_slice %arg7[%multiple_of3A_56, %dma_wait3A_61] : memref<20000x72xf32, #tpu.memory_space<hbm>> -> memref<80x72xf32, #tpu.memory_space<hbm>>
          tpu.wait_dma2 semaphore(%run_scoped3A : memref<!tpu.dma_semaphore, #tpu.memory_space<semaphore_mem>>) src(%arg18 : memref<80x72xf32, #tpu.memory_space<vmem>>) dst(%dma_wait3A_62 : memref<80x72xf32, #tpu.memory_space<hbm>>)
          tpu.yield
        }) : () -> ()
      } else {
      }
      %scan3A_50 = arith.constant 0 : i32
      scf.yield %scan3A_50 : i32
    }
    %scan3A_43 = arith.constant 8 : i32
    return
  }
}

module attributes {stable_mosaic.version = 14 : i64} {
  func.func @_eproj_body(%arg0: i32, %arg1: i32, %arg2: memref<1000x128xf32, #tpu.memory_space<vmem>>, %arg3: memref<1x128x768xf32, #tpu.memory_space<vmem>>, %arg4: memref<1x1x768xf32, #tpu.memory_space<vmem>>, %arg5: memref<1000x768xf32, #tpu.memory_space<vmem>>) attributes {dimension_semantics = [#tpu.dimension_semantics<arbitrary>, #tpu.dimension_semantics<arbitrary>], iteration_bounds = array<i64: 2, 40>, scalar_prefetch = 0 : i64, scratch_operands = 0 : i64, tpu.core_type = #tpu.core_type<tc>, window_params = [{transform_indices = @transform_0, window_bounds = array<i64: 1000, 128>}, {transform_indices = @transform_1, window_bounds = array<i64: 1, 128, 768>}, {transform_indices = @transform_2, window_bounds = array<i64: 1, 1, 768>}, {transform_indices = @transform_3, window_bounds = array<i64: 1000, 768>}]} {
    %get3A = arith.constant 0 : index
    %get3A_0 = arith.constant 0 : index
    %get3A_1 = vector.load %arg2[%get3A, %get3A_0] : memref<1000x128xf32, #tpu.memory_space<vmem>>, vector<1000x128xf32>
    %get3A_2 = arith.constant 0 : index
    %get3A_3 = arith.constant 0 : index
    %get3A_4 = arith.constant 0 : index
    %get3A_5 = vector.load %arg3[%get3A_2, %get3A_3, %get3A_4] : memref<1x128x768xf32, #tpu.memory_space<vmem>>, vector<1x128x768xf32>
    %get3A_6 = vector.shape_cast %get3A_5 : vector<1x128x768xf32> to vector<128x768xf32>
    %dot_general3A = arith.constant dense<0.000000e+00> : vector<1000x768xf32>
    %dot_general3A_7 = tpu.matmul %get3A_1, %get3A_6, %dot_general3A {dimension_numbers = #tpu.dot_dimension_numbers<[1], [0], [0], [1], [0, 0, 1, 1], [], []>, precision = #tpu.contract_precision<fp32>, transpose_lhs_hint = false} : vector<1000x128xf32>, vector<128x768xf32>, vector<1000x768xf32> -> vector<1000x768xf32>
    %get3A_8 = arith.constant 0 : index
    %get3A_9 = arith.constant 0 : index
    %get3A_10 = arith.constant 0 : index
    %get3A_11 = vector.load %arg4[%get3A_8, %get3A_9, %get3A_10] : memref<1x1x768xf32, #tpu.memory_space<vmem>>, vector<1x1x768xf32>
    %get3A_12 = vector.shape_cast %get3A_11 : vector<1x1x768xf32> to vector<1x768xf32>
    %add3A = vector.broadcast %get3A_12 : vector<1x768xf32> to vector<1000x768xf32>
    %add3A_13 = arith.addf %dot_general3A_7, %add3A : vector<1000x768xf32>
    %swap3A = arith.constant 0 : index
    %swap3A_14 = arith.constant 0 : index
    %swap3A_15 = vector.load %arg5[%swap3A, %swap3A_14] : memref<1000x768xf32, #tpu.memory_space<vmem>>, vector<1000x768xf32>
    tpu.vector_store %arg5[%swap3A, %swap3A_14], %add3A_13 {strides = array<i32>} : memref<1000x768xf32, #tpu.memory_space<vmem>>, vector<1000x768xf32>,
    return
  }
  func.func @transform_0(%arg0: i32, %arg1: i32) -> (i32, i32) {
    %c0_i32 = arith.constant 0 : i32
    %c0_i32_0 = arith.constant 0 : i32
    return %arg1, %c0_i32 : i32, i32
  }
  func.func @transform_1(%arg0: i32, %arg1: i32) -> (i32, i32, i32) {
    %c0_i32 = arith.constant 0 : i32
    %c0_i32_0 = arith.constant 0 : i32
    %c0_i32_1 = arith.constant 0 : i32
    return %arg0, %c0_i32, %c0_i32_0 : i32, i32, i32
  }
  func.func @transform_2(%arg0: i32, %arg1: i32) -> (i32, i32, i32) {
    %c0_i32 = arith.constant 0 : i32
    %c0_i32_0 = arith.constant 0 : i32
    %c0_i32_1 = arith.constant 0 : i32
    return %arg0, %c0_i32, %c0_i32_0 : i32, i32, i32
  }
  func.func @transform_3(%arg0: i32, %arg1: i32) -> (i32, i32) {
    %mul3A = arith.constant 40 : i32
    %mul3A_0 = arith.muli %arg0, %mul3A : i32
    %add3A = arith.addi %mul3A_0, %arg1 : i32
    %c0_i32 = arith.constant 0 : i32
    %c0_i32_1 = arith.constant 0 : i32
    return %add3A, %c0_i32 : i32, i32
  }
}

module attributes {stable_mosaic.version = 14 : i64} {
  func.func @_node_tables_body(%arg0: i32, %arg1: i32, %arg2: memref<1000x128xf32, #tpu.memory_space<vmem>>, %arg3: memref<1000x128xf32, #tpu.memory_space<vmem>>, %arg4: memref<1x128x160xf32, #tpu.memory_space<vmem>>, %arg5: memref<1x1x160xf32, #tpu.memory_space<vmem>>, %arg6: memref<1x128x208xf32, #tpu.memory_space<vmem>>, %arg7: memref<1x1x208xf32, #tpu.memory_space<vmem>>, %arg8: memref<1000x160xf32, #tpu.memory_space<vmem>>, %arg9: memref<1000x208xf32, #tpu.memory_space<vmem>>) attributes {dimension_semantics = [#tpu.dimension_semantics<arbitrary>, #tpu.dimension_semantics<arbitrary>], iteration_bounds = array<i64: 2, 10>, scalar_prefetch = 0 : i64, scratch_operands = 0 : i64, tpu.core_type = #tpu.core_type<tc>, window_params = [{transform_indices = @transform_0, window_bounds = array<i64: 1000, 128>}, {transform_indices = @transform_1, window_bounds = array<i64: 1000, 128>}, {transform_indices = @transform_2, window_bounds = array<i64: 1, 128, 160>}, {transform_indices = @transform_3, window_bounds = array<i64: 1, 1, 160>}, {transform_indices = @transform_4, window_bounds = array<i64: 1, 128, 208>}, {transform_indices = @transform_5, window_bounds = array<i64: 1, 1, 208>}, {transform_indices = @transform_6, window_bounds = array<i64: 1000, 160>}, {transform_indices = @transform_7, window_bounds = array<i64: 1000, 208>}]} {
    %eq3A = arith.constant 0 : i32
    %eq3A_0 = arith.cmpi eq, %arg0, %eq3A : i32
    %get3A = arith.constant 0 : index
    %get3A_1 = arith.constant 0 : index
    %get3A_2 = vector.load %arg2[%get3A, %get3A_1] : memref<1000x128xf32, #tpu.memory_space<vmem>>, vector<1000x128xf32>
    %get3A_3 = arith.constant 0 : index
    %get3A_4 = arith.constant 0 : index
    %get3A_5 = vector.load %arg3[%get3A_3, %get3A_4] : memref<1000x128xf32, #tpu.memory_space<vmem>>, vector<1000x128xf32>
    %select_n3A = arith.select %eq3A_0, %get3A_2, %get3A_5 : vector<1000x128xf32>
    %eq3A_6 = arith.constant 0 : i32
    %eq3A_7 = arith.cmpi eq, %arg0, %eq3A_6 : i32
    %get3A_8 = arith.constant 0 : index
    %get3A_9 = arith.constant 0 : index
    %get3A_10 = vector.load %arg3[%get3A_8, %get3A_9] : memref<1000x128xf32, #tpu.memory_space<vmem>>, vector<1000x128xf32>
    %get3A_11 = arith.constant 0 : index
    %get3A_12 = arith.constant 0 : index
    %get3A_13 = vector.load %arg2[%get3A_11, %get3A_12] : memref<1000x128xf32, #tpu.memory_space<vmem>>, vector<1000x128xf32>
    %select_n3A_14 = arith.select %eq3A_7, %get3A_10, %get3A_13 : vector<1000x128xf32>
    %get3A_15 = arith.constant 0 : index
    %get3A_16 = arith.constant 0 : index
    %get3A_17 = arith.constant 0 : index
    %get3A_18 = vector.load %arg4[%get3A_15, %get3A_16, %get3A_17] : memref<1x128x160xf32, #tpu.memory_space<vmem>>, vector<1x128x160xf32>
    %get3A_19 = vector.shape_cast %get3A_18 : vector<1x128x160xf32> to vector<128x160xf32>
    %dot_general3A = arith.constant dense<0.000000e+00> : vector<1000x160xf32>
    %dot_general3A_20 = tpu.matmul %select_n3A, %get3A_19, %dot_general3A {dimension_numbers = #tpu.dot_dimension_numbers<[1], [0], [0], [1], [0, 0, 1, 1], [], []>, precision = #tpu.contract_precision<fp32>, transpose_lhs_hint = false} : vector<1000x128xf32>, vector<128x160xf32>, vector<1000x160xf32> -> vector<1000x160xf32>
    %get3A_21 = arith.constant 0 : index
    %get3A_22 = arith.constant 0 : index
    %get3A_23 = arith.constant 0 : index
    %get3A_24 = vector.load %arg5[%get3A_21, %get3A_22, %get3A_23] : memref<1x1x160xf32, #tpu.memory_space<vmem>>, vector<1x1x160xf32>
    %get3A_25 = vector.shape_cast %get3A_24 : vector<1x1x160xf32> to vector<1x160xf32>
    %add3A = vector.broadcast %get3A_25 : vector<1x160xf32> to vector<1000x160xf32>
    %add3A_26 = arith.addf %dot_general3A_20, %add3A : vector<1000x160xf32>
    %swap3A = arith.constant 0 : index
    %swap3A_27 = arith.constant 0 : index
    %swap3A_28 = vector.load %arg8[%swap3A, %swap3A_27] : memref<1000x160xf32, #tpu.memory_space<vmem>>, vector<1000x160xf32>
    tpu.vector_store %arg8[%swap3A, %swap3A_27], %add3A_26 {strides = array<i32>} : memref<1000x160xf32, #tpu.memory_space<vmem>>, vector<1000x160xf32>,
    %get3A_29 = arith.constant 0 : index
    %get3A_30 = arith.constant 0 : index
    %get3A_31 = arith.constant 0 : index
    %get3A_32 = vector.load %arg6[%get3A_29, %get3A_30, %get3A_31] : memref<1x128x208xf32, #tpu.memory_space<vmem>>, vector<1x128x208xf32>
    %get3A_33 = vector.shape_cast %get3A_32 : vector<1x128x208xf32> to vector<128x208xf32>
    %dot_general3A_34 = arith.constant dense<0.000000e+00> : vector<1000x208xf32>
    %dot_general3A_35 = tpu.matmul %select_n3A_14, %get3A_33, %dot_general3A_34 {dimension_numbers = #tpu.dot_dimension_numbers<[1], [0], [0], [1], [0, 0, 1, 1], [], []>, precision = #tpu.contract_precision<fp32>, transpose_lhs_hint = false} : vector<1000x128xf32>, vector<128x208xf32>, vector<1000x208xf32> -> vector<1000x208xf32>
    %get3A_36 = arith.constant 0 : index
    %get3A_37 = arith.constant 0 : index
    %get3A_38 = arith.constant 0 : index
    %get3A_39 = vector.load %arg7[%get3A_36, %get3A_37, %get3A_38] : memref<1x1x208xf32, #tpu.memory_space<vmem>>, vector<1x1x208xf32>
    %get3A_40 = vector.shape_cast %get3A_39 : vector<1x1x208xf32> to vector<1x208xf32>
    %add3A_41 = vector.broadcast %get3A_40 : vector<1x208xf32> to vector<1000x208xf32>
    %add3A_42 = arith.addf %dot_general3A_35, %add3A_41 : vector<1000x208xf32>
    %swap3A_43 = arith.constant 0 : index
    %swap3A_44 = arith.constant 0 : index
    %swap3A_45 = vector.load %arg9[%swap3A_43, %swap3A_44] : memref<1000x208xf32, #tpu.memory_space<vmem>>, vector<1000x208xf32>
    tpu.vector_store %arg9[%swap3A_43, %swap3A_44], %add3A_42 {strides = array<i32>} : memref<1000x208xf32, #tpu.memory_space<vmem>>, vector<1000x208xf32>,
    return
  }
  func.func @transform_0(%arg0: i32, %arg1: i32) -> (i32, i32) {
    %c0_i32 = arith.constant 0 : i32
    %c0_i32_0 = arith.constant 0 : i32
    return %arg1, %c0_i32 : i32, i32
  }
  func.func @transform_1(%arg0: i32, %arg1: i32) -> (i32, i32) {
    %c0_i32 = arith.constant 0 : i32
    %c0_i32_0 = arith.constant 0 : i32
    return %arg1, %c0_i32 : i32, i32
  }
  func.func @transform_2(%arg0: i32, %arg1: i32) -> (i32, i32, i32) {
    %c0_i32 = arith.constant 0 : i32
    %c0_i32_0 = arith.constant 0 : i32
    %c0_i32_1 = arith.constant 0 : i32
    return %arg0, %c0_i32, %c0_i32_0 : i32, i32, i32
  }
  func.func @transform_3(%arg0: i32, %arg1: i32) -> (i32, i32, i32) {
    %c0_i32 = arith.constant 0 : i32
    %c0_i32_0 = arith.constant 0 : i32
    %c0_i32_1 = arith.constant 0 : i32
    return %arg0, %c0_i32, %c0_i32_0 : i32, i32, i32
  }
  func.func @transform_4(%arg0: i32, %arg1: i32) -> (i32, i32, i32) {
    %c0_i32 = arith.constant 0 : i32
    %c0_i32_0 = arith.constant 0 : i32
    %c0_i32_1 = arith.constant 0 : i32
    return %arg0, %c0_i32, %c0_i32_0 : i32, i32, i32
  }
  func.func @transform_5(%arg0: i32, %arg1: i32) -> (i32, i32, i32) {
    %c0_i32 = arith.constant 0 : i32
    %c0_i32_0 = arith.constant 0 : i32
    %c0_i32_1 = arith.constant 0 : i32
    return %arg0, %c0_i32, %c0_i32_0 : i32, i32, i32
  }
  func.func @transform_6(%arg0: i32, %arg1: i32) -> (i32, i32) {
    %mul3A = arith.constant 10 : i32
    %mul3A_0 = arith.muli %arg0, %mul3A : i32
    %add3A = arith.addi %mul3A_0, %arg1 : i32
    %c0_i32 = arith.constant 0 : i32
    %c0_i32_1 = arith.constant 0 : i32
    return %add3A, %c0_i32 : i32, i32
  }
  func.func @transform_7(%arg0: i32, %arg1: i32) -> (i32, i32) {
    %mul3A = arith.constant 10 : i32
    %mul3A_0 = arith.muli %arg0, %mul3A : i32
    %add3A = arith.addi %mul3A_0, %arg1 : i32
    %c0_i32 = arith.constant 0 : i32
    %c0_i32_1 = arith.constant 0 : i32
    return %add3A, %c0_i32 : i32, i32
  }
}

module attributes {stable_mosaic.version = 14 : i64} {
  func.func @_post_body(%arg0: i32, %arg1: memref<1000x72xf32, #tpu.memory_space<vmem>>, %arg2: memref<1000x72xf32, #tpu.memory_space<vmem>>, %arg3: memref<1000x128xf32, #tpu.memory_space<vmem>>, %arg4: memref<1000x128xf32, #tpu.memory_space<vmem>>, %arg5: memref<1x64xf32, #tpu.memory_space<vmem>>, %arg6: memref<1x64xf32, #tpu.memory_space<vmem>>, %arg7: memref<128x64xf32, #tpu.memory_space<vmem>>, %arg8: memref<1x64xf32, #tpu.memory_space<vmem>>, %arg9: memref<128x64xf32, #tpu.memory_space<vmem>>, %arg10: memref<1x64xf32, #tpu.memory_space<vmem>>, %arg11: memref<1000x128xf32, #tpu.memory_space<vmem>>, %arg12: memref<1000x128xf32, #tpu.memory_space<vmem>>) attributes {dimension_semantics = [#tpu.dimension_semantics<arbitrary>], iteration_bounds = array<i64: 10>, scalar_prefetch = 0 : i64, scratch_operands = 0 : i64, tpu.core_type = #tpu.core_type<tc>, window_params = [{transform_indices = @transform_0, window_bounds = array<i64: 1000, 72>}, {transform_indices = @transform_1, window_bounds = array<i64: 1000, 72>}, {transform_indices = @transform_2, window_bounds = array<i64: 1000, 128>}, {transform_indices = @transform_3, window_bounds = array<i64: 1000, 128>}, {pipeline_mode = #tpu.pipeline_mode<synchronous>, transform_indices = @transform_4, window_bounds = array<i64: 1, 64>}, {pipeline_mode = #tpu.pipeline_mode<synchronous>, transform_indices = @transform_5, window_bounds = array<i64: 1, 64>}, {pipeline_mode = #tpu.pipeline_mode<synchronous>, transform_indices = @transform_6, window_bounds = array<i64: 128, 64>}, {pipeline_mode = #tpu.pipeline_mode<synchronous>, transform_indices = @transform_7, window_bounds = array<i64: 1, 64>}, {pipeline_mode = #tpu.pipeline_mode<synchronous>, transform_indices = @transform_8, window_bounds = array<i64: 128, 64>}, {pipeline_mode = #tpu.pipeline_mode<synchronous>, transform_indices = @transform_9, window_bounds = array<i64: 1, 64>}, {transform_indices = @transform_10, window_bounds = array<i64: 1000, 128>}, {transform_indices = @transform_11, window_bounds = array<i64: 1000, 128>}]} {
    %get3A = arith.constant 0 : index
    %get3A_0 = arith.constant 0 : index
    %get3A_1 = vector.load %arg1[%get3A, %get3A_0] : memref<1000x72xf32, #tpu.memory_space<vmem>>, vector<1000x72xf32>
    %slice3A = vector.extract_strided_slice %get3A_1 {offsets = [0, 64], sizes = [1000, 1], strides = [1, 1]} : vector<1000x72xf32> to vector<1000x1xf32>
    %gt3A = arith.constant 0.000000e+00 : f32
    %gt3A_2 = vector.broadcast %gt3A : f32 to vector<1000x1xf32>
    %gt3A_3 = arith.cmpf ogt, %slice3A, %gt3A_2 : vector<1000x1xf32>
    %div3A = arith.constant 1.000000e+00 : f32
    %div3A_4 = vector.broadcast %div3A : f32 to vector<1000x1xf32>
    %div3A_5 = arith.divf %div3A_4, %slice3A : vector<1000x1xf32>
    %jit3A = arith.constant 0.000000e+00 : f32
    %broadcast_in_dim3A = vector.broadcast %jit3A : f32 to vector<1000x1xf32>
    %select_n3A = arith.select %gt3A_3, %div3A_5, %broadcast_in_dim3A : vector<1000x1xi1>, vector<1000x1xf32>
    %get3A_6 = arith.constant 0 : index
    %get3A_7 = arith.constant 0 : index
    %get3A_8 = vector.load %arg3[%get3A_6, %get3A_7] : memref<1000x128xf32, #tpu.memory_space<vmem>>, vector<1000x128xf32>
    %get3A_9 = arith.constant 0 : index
    %get3A_10 = arith.constant 0 : index
    %get3A_11 = vector.load %arg7[%get3A_9, %get3A_10] : memref<128x64xf32, #tpu.memory_space<vmem>>, vector<128x64xf32>
    %dot_general3A = arith.constant dense<0.000000e+00> : vector<1000x64xf32>
    %dot_general3A_12 = tpu.matmul %get3A_8, %get3A_11, %dot_general3A {dimension_numbers = #tpu.dot_dimension_numbers<[1], [0], [0], [1], [0, 0, 1, 1], [], []>, precision = #tpu.contract_precision<fp32>, transpose_lhs_hint = false} : vector<1000x128xf32>, vector<128x64xf32>, vector<1000x64xf32> -> vector<1000x64xf32>
    %get3A_13 = arith.constant 0 : index
    %get3A_14 = arith.constant 0 : index
    %get3A_15 = vector.load %arg8[%get3A_13, %get3A_14] : memref<1x64xf32, #tpu.memory_space<vmem>>, vector<1x64xf32>
    %add3A = vector.broadcast %get3A_15 : vector<1x64xf32> to vector<1000x64xf32>
    %add3A_16 = arith.addf %dot_general3A_12, %add3A : vector<1000x64xf32>
    %swap3A = arith.constant 0 : index
    %swap3A_17 = arith.constant 0 : index
    %swap3A_18 = vector.load %arg11[%swap3A, %swap3A_17] : memref<1000x128xf32, #tpu.memory_space<vmem>>, vector<1000x64xf32>
    tpu.vector_store %arg11[%swap3A, %swap3A_17], %add3A_16 {strides = array<i32>} : memref<1000x128xf32, #tpu.memory_space<vmem>>, vector<1000x64xf32>,
    %slice3A_19 = vector.extract_strided_slice %get3A_1 {offsets = [0, 0], sizes = [1000, 64], strides = [1, 1]} : vector<1000x72xf32> to vector<1000x64xf32>
    %mul3A = vector.broadcast %select_n3A : vector<1000x1xf32> to vector<1000x64xf32>
    %mul3A_20 = arith.mulf %slice3A_19, %mul3A : vector<1000x64xf32>
    %get3A_21 = arith.constant 0 : index
    %get3A_22 = arith.constant 0 : index
    %get3A_23 = vector.load %arg5[%get3A_21, %get3A_22] : memref<1x64xf32, #tpu.memory_space<vmem>>, vector<1x64xf32>
    %add3A_24 = vector.broadcast %get3A_23 : vector<1x64xf32> to vector<1000x64xf32>
    %add3A_25 = arith.addf %mul3A_20, %add3A_24 : vector<1000x64xf32>
    %swap3A_26 = arith.constant 0 : index
    %swap3A_27 = arith.constant 64 : index
    %swap3A_28 = vector.load %arg11[%swap3A_26, %swap3A_27] : memref<1000x128xf32, #tpu.memory_space<vmem>>, vector<1000x64xf32>
    tpu.vector_store %arg11[%swap3A_26, %swap3A_27], %add3A_25 {strides = array<i32>} : memref<1000x128xf32, #tpu.memory_space<vmem>>, vector<1000x64xf32>,
    %get3A_29 = arith.constant 0 : index
    %get3A_30 = arith.constant 0 : index
    %get3A_31 = vector.load %arg2[%get3A_29, %get3A_30] : memref<1000x72xf32, #tpu.memory_space<vmem>>, vector<1000x72xf32>
    %slice3A_32 = vector.extract_strided_slice %get3A_31 {offsets = [0, 64], sizes = [1000, 1], strides = [1, 1]} : vector<1000x72xf32> to vector<1000x1xf32>
    %gt3A_33 = arith.constant 0.000000e+00 : f32
    %gt3A_34 = vector.broadcast %gt3A_33 : f32 to vector<1000x1xf32>
    %gt3A_35 = arith.cmpf ogt, %slice3A_32, %gt3A_34 : vector<1000x1xf32>
    %div3A_36 = arith.constant 1.000000e+00 : f32
    %div3A_37 = vector.broadcast %div3A_36 : f32 to vector<1000x1xf32>
    %div3A_38 = arith.divf %div3A_37, %slice3A_32 : vector<1000x1xf32>
    %jit3A_39 = arith.constant 0.000000e+00 : f32
    %broadcast_in_dim3A_40 = vector.broadcast %jit3A_39 : f32 to vector<1000x1xf32>
    %select_n3A_41 = arith.select %gt3A_35, %div3A_38, %broadcast_in_dim3A_40 : vector<1000x1xi1>, vector<1000x1xf32>
    %get3A_42 = arith.constant 0 : index
    %get3A_43 = arith.constant 0 : index
    %get3A_44 = vector.load %arg4[%get3A_42, %get3A_43] : memref<1000x128xf32, #tpu.memory_space<vmem>>, vector<1000x128xf32>
    %get3A_45 = arith.constant 0 : index
    %get3A_46 = arith.constant 0 : index
    %get3A_47 = vector.load %arg9[%get3A_45, %get3A_46] : memref<128x64xf32, #tpu.memory_space<vmem>>, vector<128x64xf32>
    %dot_general3A_48 = arith.constant dense<0.000000e+00> : vector<1000x64xf32>
    %dot_general3A_49 = tpu.matmul %get3A_44, %get3A_47, %dot_general3A_48 {dimension_numbers = #tpu.dot_dimension_numbers<[1], [0], [0], [1], [0, 0, 1, 1], [], []>, precision = #tpu.contract_precision<fp32>, transpose_lhs_hint = false} : vector<1000x128xf32>, vector<128x64xf32>, vector<1000x64xf32> -> vector<1000x64xf32>
    %get3A_50 = arith.constant 0 : index
    %get3A_51 = arith.constant 0 : index
    %get3A_52 = vector.load %arg10[%get3A_50, %get3A_51] : memref<1x64xf32, #tpu.memory_space<vmem>>, vector<1x64xf32>
    %add3A_53 = vector.broadcast %get3A_52 : vector<1x64xf32> to vector<1000x64xf32>
    %add3A_54 = arith.addf %dot_general3A_49, %add3A_53 : vector<1000x64xf32>
    %swap3A_55 = arith.constant 0 : index
    %swap3A_56 = arith.constant 0 : index
    %swap3A_57 = vector.load %arg12[%swap3A_55, %swap3A_56] : memref<1000x128xf32, #tpu.memory_space<vmem>>, vector<1000x64xf32>
    tpu.vector_store %arg12[%swap3A_55, %swap3A_56], %add3A_54 {strides = array<i32>} : memref<1000x128xf32, #tpu.memory_space<vmem>>, vector<1000x64xf32>,
    %slice3A_58 = vector.extract_strided_slice %get3A_31 {offsets = [0, 0], sizes = [1000, 64], strides = [1, 1]} : vector<1000x72xf32> to vector<1000x64xf32>
    %mul3A_59 = vector.broadcast %select_n3A_41 : vector<1000x1xf32> to vector<1000x64xf32>
    %mul3A_60 = arith.mulf %slice3A_58, %mul3A_59 : vector<1000x64xf32>
    %get3A_61 = arith.constant 0 : index
    %get3A_62 = arith.constant 0 : index
    %get3A_63 = vector.load %arg6[%get3A_61, %get3A_62] : memref<1x64xf32, #tpu.memory_space<vmem>>, vector<1x64xf32>
    %add3A_64 = vector.broadcast %get3A_63 : vector<1x64xf32> to vector<1000x64xf32>
    %add3A_65 = arith.addf %mul3A_60, %add3A_64 : vector<1000x64xf32>
    %swap3A_66 = arith.constant 0 : index
    %swap3A_67 = arith.constant 64 : index
    %swap3A_68 = vector.load %arg12[%swap3A_66, %swap3A_67] : memref<1000x128xf32, #tpu.memory_space<vmem>>, vector<1000x64xf32>
    tpu.vector_store %arg12[%swap3A_66, %swap3A_67], %add3A_65 {strides = array<i32>} : memref<1000x128xf32, #tpu.memory_space<vmem>>, vector<1000x64xf32>,
    return
  }
  func.func @transform_0(%arg0: i32) -> (i32, i32) {
    %c0_i32 = arith.constant 0 : i32
    %c0_i32_0 = arith.constant 0 : i32
    return %arg0, %c0_i32 : i32, i32
  }
  func.func @transform_1(%arg0: i32) -> (i32, i32) {
    %add3A = arith.constant 10 : i32
    %add3A_0 = arith.addi %add3A, %arg0 : i32
    %c0_i32 = arith.constant 0 : i32
    %c0_i32_1 = arith.constant 0 : i32
    return %add3A_0, %c0_i32 : i32, i32
  }
  func.func @transform_2(%arg0: i32) -> (i32, i32) {
    %c0_i32 = arith.constant 0 : i32
    %c0_i32_0 = arith.constant 0 : i32
    return %arg0, %c0_i32 : i32, i32
  }
  func.func @transform_3(%arg0: i32) -> (i32, i32) {
    %c0_i32 = arith.constant 0 : i32
    %c0_i32_0 = arith.constant 0 : i32
    return %arg0, %c0_i32 : i32, i32
  }
  func.func @transform_4(%arg0: i32) -> (i32, i32) {
    %c0_i32 = arith.constant 0 : i32
    %c0_i32_0 = arith.constant 0 : i32
    %c0_i32_1 = arith.constant 0 : i32
    return %c0_i32, %c0_i32_0 : i32, i32
  }
  func.func @transform_5(%arg0: i32) -> (i32, i32) {
    %c0_i32 = arith.constant 0 : i32
    %c0_i32_0 = arith.constant 0 : i32
    %c0_i32_1 = arith.constant 0 : i32
    return %c0_i32, %c0_i32_0 : i32, i32
  }
  func.func @transform_6(%arg0: i32) -> (i32, i32) {
    %c0_i32 = arith.constant 0 : i32
    %c0_i32_0 = arith.constant 0 : i32
    %c0_i32_1 = arith.constant 0 : i32
    return %c0_i32, %c0_i32_0 : i32, i32
  }
  func.func @transform_7(%arg0: i32) -> (i32, i32) {
    %c0_i32 = arith.constant 0 : i32
    %c0_i32_0 = arith.constant 0 : i32
    %c0_i32_1 = arith.constant 0 : i32
    return %c0_i32, %c0_i32_0 : i32, i32
  }
  func.func @transform_8(%arg0: i32) -> (i32, i32) {
    %c0_i32 = arith.constant 0 : i32
    %c0_i32_0 = arith.constant 0 : i32
    %c0_i32_1 = arith.constant 0 : i32
    return %c0_i32, %c0_i32_0 : i32, i32
  }
  func.func @transform_9(%arg0: i32) -> (i32, i32) {
    %c0_i32 = arith.constant 0 : i32
    %c0_i32_0 = arith.constant 0 : i32
    %c0_i32_1 = arith.constant 0 : i32
    return %c0_i32, %c0_i32_0 : i32, i32
  }
  func.func @transform_10(%arg0: i32) -> (i32, i32) {
    %c0_i32 = arith.constant 0 : i32
    %c0_i32_0 = arith.constant 0 : i32
    return %arg0, %c0_i32 : i32, i32
  }
  func.func @transform_11(%arg0: i32) -> (i32, i32) {
    %c0_i32 = arith.constant 0 : i32
    %c0_i32_0 = arith.constant 0 : i32
    return %arg0, %c0_i32 : i32, i32
  }
}

</mosaic_0001>

<sc_bundles>
// kernel: kernel.6.cloned.1.call-start
scs
__scs_entry_jumppad:
0x0: {  	(pc) =	sbr.rel $0x88, $3  }
0x1: {  	(tag) =	ssettag $0x0;
	lr =	simm.s32 $0x1  }
0x2: {  	[smem:$0x3F8B] =	sst lr;
	_ =	strace $0xD0000000  }
0x3: {  	_ = 	snop  }
0x4: {  	_ = 	snop  }
0x5: {  	_ = 	snop  }
0x6: {  	_ = 	snop  }
0x7: {  	_ = 	snop  }
__scs_overlays_trampoline_lowered:
0x8: {  	[smem:$0x3F9A] =	sst s0  }
0x9: {  	[smem:$0x3F9B] =	sst s1  }
0xa: {  	[smem:$0x3F9C] =	sst s2  }
0xb: {  	[smem:$0x3F9D] =	sst s3  }
0xc: {  	[smem:$0x3F9E] =	sst s4  }
0xd: {  	[smem:$0x3F9F] =	sst s5  }
0xe: {  	[smem:$0x3FA0] =	sst s6  }
0xf: {  	[smem:$0x3FA1] =	sst s7  }
0x10: {  	[smem:$0x3FA2] =	sst s8  }
0x11: {  	[smem:$0x3FA3] =	sst s9;
	s0 =	simm.s32 @!p0 $0x0  }
0x12: {  	s1 =	sld [smem:$0x3F89];
	s0 =	simm.s32 @p0 $0x1  }
0x13: {  	[smem:$0x3FA4] =	sst s0;
	s0 =	simm.s32 @!p1 $0x0  }
0x14: {  	s2 =	sld [smem:$0x3F88];
	s0 =	simm.s32 @p1 $0x1  }
0x15: {  	[smem:$0x3FA5] =	sst s0;
	s0 =	simm.s32 @!p2 $0x0  }
0x16: {  	s3 =	sld [smem:$0x3FDB];
	s0 =	simm.s32 @p2 $0x1  }
0x17: {  	s4 =	simm.s32 $0x1BF5;
	[smem:$0x3FA7] =	sst s0  }
0x18: {  	s0 =	sld [smem:$0x3F8A];
	_ =	swait.ge [sflag:s4], $0x0  }
0x19: {  	s7 =	sld [smem:$0x3F8B]  }
0x1a: {  	s8 =	sadd.s32 $0xFFFFE003, lr  }
0x1b: {  	s9 =	sadd.s32 $0xFFFFFEF7, lr;
	s5 =	simm.s32 $0xFFFFFFFF;
	p2 =	slt.u32 s8, $0xFFFFF086  }
0x1c: {  	p1 =	slt.u32 s9, $0xF7A;
	s5 =	simm.s32 @!p2 $0x0  }
0x1d: {  	s5 =	simm.s32 @p1 $0x1;
	p0 =	seq.s32 s7, s2  }
0x1e: {  	s7 =	smul.u32 @!p0 $0xF7A, s2;
	p2 =	seq.s32 @!p0 s5, $0x0  }
0x1f: {  	s9 =	smul.u32 $0xF7A, s1;
	s8 =	simm.s32 @!p0 $0x1BF5;
	p2 =	por !p2, p0  }
0x20: {  	[sflag:s8] =	ssyncset.s32 @!p0 $0xFFFFF086;
	s6 =	sadd.s32 @!p0 s3, s7;
	s7 =	simm.s32 @!p0 $0x108  }
0x21: {  	s3 =	sadd.s32 s3, s9;
	s6 =	sadd.s32 @!p0 $0x88, s6;
	s7 =	simm.s32 @p2 $0x1082  }
0x22: {  	[simem:s7], [sflag:s8] =	dma.local @!p0 [hbm:s6], $0xF7A  }
0x23: {  	s9 =	sor.u32 $0xD0000000, s2;
	s6 =	simm.s32 $0x108;
	_ =	swait.ge @!p0 [sflag:s8], $0x0  }
0x24: {  	s3 =	sadd.s32 $0x88, s3;
	s6 =	simm.s32 @!p1 $0x1082;
	[sflag:s4] =	ssyncset.s32 $0xFFFFF086  }
0x25: {  	[simem:s6], [sflag:s4] =	dma.local [hbm:s3], $0xF7A  }
0x26: {  	[smem:$0x3F8B] =	sst s1;
	(tag) =	ssettag s2;
	_ =	strace s9  }
0x27: {  	s1 =	sld [smem:$0x3F9B]  }
0x28: {  	s2 =	sld [smem:$0x3F9C]  }
0x29: {  	s4 =	sld [smem:$0x3F9E]  }
0x2a: {  	p0 =	seq.s32 s5, $0x0;
	s5 =	sld [smem:$0x3F9F]  }
0x2b: {  	s6 =	sld [smem:$0x3FA0]  }
0x2c: {  	s7 =	sld [smem:$0x3FA1]  }
0x2d: {  	s3 =	simm.s32 $0x108;
	s8 =	sld [smem:$0x3FA2]  }
0x2e: {  	s3 =	simm.s32 @!p0 $0x1082;
	s9 =	sld [smem:$0x3FA3]  }
0x2f: {  	lr =	sadd.s32 s0, s3;
	s0 =	sld [smem:$0x3F9A]  }
0x30: {  	s3 =	sld [smem:$0x3F9D]  }
0x31: {  	[smem:$0x3FA6] =	sst s10  }
0x32: {  	s10 =	sld [smem:$0x3FA4];
	_ =	sdelay $0x3  }
0x33: {  	p0 =	seq.s32 s10, $0x1;
	s10 =	sld [smem:$0x3FA6];
	_ =	sdelay $0x3  }
0x34: {  	[smem:$0x3FA6] =	sst s10  }
0x35: {  	s10 =	sld [smem:$0x3FA5];
	_ =	sdelay $0x3  }
0x36: {  	p1 =	seq.s32 s10, $0x1;
	s10 =	sld [smem:$0x3FA6];
	_ =	sdelay $0x3  }
0x37: {  	[smem:$0x3FA6] =	sst s10  }
0x38: {  	s10 =	sld [smem:$0x3FA7]  }
0x39: {  	_ = 	snop;
	(pc) =	sbr.ind lr, $3  }
0x3a: {  	_ = 	snop  }
0x3b: {  	_ = 	snop  }
0x3c: {  	p2 =	seq.s32 s10, $0x1;
	s10 =	sld [smem:$0x3FA6]  }
0x3d: {  	_ =	shalt  }
0x3e: {  	_ =	shalt  }
0x3f: {  	_ =	shalt  }
0x40: {  	_ =	shalt  }
0x41: {  	_ =	shalt  }
0x42: {  	_ =	shalt  }
0x43: {  	_ =	shalt  }
0x44: {  	_ =	shalt  }
0x45: {  	_ =	shalt  }
0x46: {  	_ =	shalt  }
0x47: {  	_ =	shalt  }
0x48: {  	_ =	shalt  }
0x49: {  	_ =	shalt  }
0x4a: {  	_ =	shalt  }
0x4b: {  	_ =	shalt  }
0x4c: {  	_ =	shalt  }
0x4d: {  	_ =	shalt  }
0x4e: {  	_ =	shalt  }
0x4f: {  	_ =	shalt  }
0x50: {  	_ =	shalt  }
0x51: {  	_ =	shalt  }
0x52: {  	_ =	shalt  }
0x53: {  	_ =	shalt  }
0x54: {  	_ =	shalt  }
0x55: {  	_ =	shalt  }
0x56: {  	_ =	shalt  }
0x57: {  	_ =	shalt  }
0x58: {  	_ =	shalt  }
0x59: {  	_ =	shalt  }
0x5a: {  	_ =	shalt  }
0x5b: {  	_ =	shalt  }
0x5c: {  	_ =	shalt  }
0x5d: {  	_ =	shalt  }
0x5e: {  	_ =	shalt  }
0x5f: {  	_ =	shalt  }
0x60: {  	_ =	shalt  }
0x61: {  	_ =	shalt  }
0x62: {  	_ =	shalt  }
0x63: {  	_ =	shalt  }
0x64: {  	_ =	shalt  }
0x65: {  	_ =	shalt  }
0x66: {  	_ =	shalt  }
0x67: {  	_ =	shalt  }
0x68: {  	_ =	shalt  }
0x69: {  	_ =	shalt  }
0x6a: {  	_ =	shalt  }
0x6b: {  	_ =	shalt  }
0x6c: {  	_ =	shalt  }
0x6d: {  	_ =	shalt  }
0x6e: {  	_ =	shalt  }
0x6f: {  	_ =	shalt  }
0x70: {  	_ =	shalt  }
0x71: {  	_ =	shalt  }
0x72: {  	_ =	shalt  }
0x73: {  	_ =	shalt  }
0x74: {  	_ =	shalt  }
0x75: {  	_ =	shalt  }
0x76: {  	_ =	shalt  }
0x77: {  	_ =	shalt  }
0x78: {  	_ =	shalt  }
0x79: {  	_ =	shalt  }
0x7a: {  	_ =	shalt  }
0x7b: {  	_ =	shalt  }
0x7c: {  	_ =	shalt  }
0x7d: {  	_ =	shalt  }
0x7e: {  	_ =	shalt  }
0x7f: {  	_ =	shalt  }
0x80: {  	_ =	shalt  }
0x81: {  	_ =	shalt  }
0x82: {  	_ =	shalt  }
0x83: {  	_ =	shalt  }
0x84: {  	_ =	shalt  }
0x85: {  	_ =	shalt  }
0x86: {  	_ =	shalt  }
0x87: {  	_ =	shalt  }
.Lfunc_end0:
.L_simem_size_0:
called_computation_lowered:
.L_overlay_start_0:
0x88: {  	s2 =	sld [smem:$0x3FD9]  }
0x89: {  	s3 =	sld [smem:$0x3FFE];
	_ =	sdelay $0x1  }
0x8a: {  	s1 =	srdreg.scid  }
0x8b: {  	s0 =	sand.u32 $0x1, s1  }
0x8c: {  	s14 =	sshll.u32 s0, $0xA;
	s2 =	sadd.s32 s3, s2  }
0x8d: {  	s2 =	sadd.s32 s2, s14  }
0x8e: {  	[smem:$0x3FB2] =	sst s2  }
0x8f: {  	_ = 	snop  }
0x90: {  	s2 =	sld [smem:$0x3FD0];
	_ =	sdelay $0x2  }
0x91: {  	s15 =	simm.s32 $0xA;
	s4 =	simm.s32 $0x10  }
0x92: {  	[smem:s4], [sflag:s15] =	dma.local [hbm:s2], $0x1  }
0x93: {  	_ =	swait.eq [sflag:s15], $0x1  }
0x94: {  	[sflag:s15] =	ssyncset.done $0x0  }
0x95: {  	s16 =	sld [smem:$0x10];
	[sflag:s15] =	ssyncadd.s32 $0xFFFFFFFF  }
0x96: {  	s17 =	sld [smem:$0x12];
	(tm) =	ssettm $0x1  }
0x97: {  	s18 =	sld [smem:$0x3FFB];
	_ =	sdelay $0x3  }
0x98: {  	_ =	strace s18  }
0x99: {  	s4 =	sld [smem:$0x3FFC];
	_ =	sdelay $0x3  }
0x9a: {  	_ =	strace s4  }
0x9b: {  	s4 =	sld [smem:$0x3FFD];
	_ =	sdelay $0x3  }
0x9c: {  	_ =	strace s4  }
0x9d: {  	_ =	strace $0x8FFFFFFF  }
0x9e: {  	s19 =	sld [smem:$0x3FDB];
	_ =	sdelay $0x1  }
0x9f: {  	s5 =	simm.s32 $_scs_section_size  }
0xa0: {  	s6 =	simm.s32 $_size__tile_overlayer_lowered;
	s7 =	simm.s32 $_tile_overlayer_lowered  }
0xa1: {  	s22 =	simm.s32 $0x1BFF;
	s21 =	sshll.u32 s7, $0x1;
	s4 =	sadd.s32 s5, s19  }
0xa2: {  	s8 =	simm.s32 $0x0;
	s20 =	sshll.u32 s6, $0x1;
	s6 =	sadd.s32 s21, s4  }
0xa3: {  	[timem:s8], [sflag:s22] =	dma.local [hbm:s6], s20  }
0xa4: {  	_ =	swait.ge [sflag:s22], s20  }
0xa5: {  	s5 =	ssub.s32 $0x0, s20;
	[sflag:s22] =	ssyncset.done $0x0  }
0xa6: {  	[sflag:s22] =	ssyncadd.s32 s5;
	_ =	sdelay $0x1  }
0xa7: {  	s23 =	simm.s32 $0x1B8B  }
0xa8: {  	_ =	swait.ge [sflag:s23], $0x1  }
0xa9: {  	[sflag:s23] =	ssyncset.done $0x0  }
0xaa: {  	s25 =	simm.s32 $0x1B8E;
	s24 =	sld [smem:$0x3FFE];
	[sflag:s23] =	ssyncadd.s32 $0xFFFFFFFF  }
0xab: {  	s26 =	simm.s32 $execute0_lowered;
	[smem:$0x3FD2] =	sst s25  }
0xac: {  	s6 =	sshll.u32 s26, $0x1;
	_ =	strace $0x80000046;
	[dreg:$0x1] =	wrdreg $0xFFFFFFFF  }
0xad: {  	s28 =	simm.s32 $_size_execute0_lowered;
	s4 =	sadd.s32 s4, s6;
	[dreg:$0x0] =	wrdreg $0x0  }
0xae: {  	s6 =	sshll.u32 s28, $0x1;
	[dreg:$0x2] =	wrdreg s4  }
0xaf: {  	[dreg:$0x3] =	wrdreg s6  }
0xb0: {  	[dreg:$0x4] =	wrdreg $0xC0  }
0xb1: {  	_ =	task [dreg:s8], $0x5FFFF  }
0xb2: {  	[dreg:$0x1] =	wrdreg $0xFFFFFFFF  }
0xb3: {  	[dreg:$0x0] =	wrdreg $0x60  }
0xb4: {  	[dreg:$0x2] =	wrdreg s17  }
0xb5: {  	[dreg:$0x3] =	wrdreg s24  }
0xb6: {  	[dreg:$0x4] =	wrdreg s16  }
0xb7: {  	[dreg:$0x5] =	wrdreg $0xADC00  }
0xb8: {  	[dreg:$0x6] =	wrdreg $0x9  }
0xb9: {  	_ =	task.clear_ibuf [dreg:s8], $0x7FFFF;
	_ =	strace $0x90000046  }
0xba: {  	s29 =	simm.s32 $0x9;
	_ =	strace $0x80000048  }
0xbb: {  	_ =	swait.ge [sflag:s29], $0x1  }
0xbc: {  	[sflag:s29] =	ssyncadd.s32 $0xFFFFFFFF  }
0xbd: {  	_ =	strace $0x90000048  }
0xbe: {  	_ =	sfence  }
0xbf: {  	s30 =	sld [smem:$0x0];
	_ =	sdelay $0x2  }
0xc0: {  	s31 =	sshll.u32 s1, $0xD;
	s1 =	sshrl.u32 s1, $0x2  }
0xc1: {  	s3 =	sand.u32 $0x4000, s31;
	s1 =	sadd.s32 s1, s30  }
0xc2: {  	s0 =	sor.u32 s3, s0;
	s1 =	sshll.u32 s1, $0x11  }
0xc3: {  	s0 =	sor.u32 s1, s0  }
0xc4: {  	s0 =	sadd.s32 $0x8F2B, s0  }
0xc5: {  	[sflag:s0] =	ssyncadd.remote.s32 $0x1  }
0xc6: {  	_ =	sfence.sel $0xFFFF  }
0xc7: {  	[dreg:$0x0] =	wrdreg $0xFFFFFFFF;
	(pc) =	sbr.abs _section_cstart, $3  }
0xc8: {  	[dreg:$0x1] =	wrdreg $0xFFFFFFFF  }
0xc9: {  	_ =	task.clear_ibuf [dreg:s8], $0x2FFFF;
	_ =	strace $0x9FFFFFFF  }
0xca: {  	(tm) =	ssettm $0x7FFFFFFF  }
0xcb: {  	_ =	shalt  }
tec
execute0_lowered:
.L_overlay_start_1:
0x0: {  	(tag) =	ssettag $0x1  }
0x1: {  	s24 =	stileid.u32  }
0x2: {  	s0 =	srdreg.scid;
	s3 =	smul.u32 $0x50, s24  }
0x3: {  	s0 =	sand.u32 $0x1, s0;
	s28 =	smul.u32 $0x4E20, s24  }
0x4: {  	s2 =	sor.u32 $0x10, s24;
	s8 =	smul.u32 $0x2710, s0  }
0x5: {  	s9 =	sor.u32 $0x20, s24;
	s4 =	smul.u32 $0x50, s2  }
0x6: {  	s1 =	rddreg [dreg:$0x0];
	s11 =	sor.u32 $0x30, s24;
	s12 =	smul.u32 $0x50, s9  }
0x7: {  	s6 =	rddreg [dreg:$0x1];
	s13 =	sor.u32 $0x40, s24;
	s14 =	smul.u32 $0x50, s11  }
0x8: {  	s5 =	simm.s32 $0x0;
	s18 =	sor.u32 $0x50, s24;
	s15 =	smul.u32 $0x50, s13  }
0x9: {  	s29 =	simm.s32 $0x15D88;
	s19 =	sor.u32 $0x60, s24;
	s20 =	smul.u32 $0x50, s18  }
0xa: {  	s30 =	simm.s32 $0x2;
	s22 =	sor.u32 $0x70, s24;
	s23 =	smul.u32 $0x50, s19  }
0xb: {  	s31 =	simm.s32 $0x50;
	[smem:$0x7FF] =	sst s5;
	s25 =	smul.u32 $0x50, s22  }
0xc: {  	s16 =	sadd.s32 $0x104200, s6;
	s17 =	ssub.s32 $0x2, s0;
	s2 =	smul.u32 $0x5A00, s2  }
0xd: {  	p0 =	sne.s32 s0, $0x0;
	p1 =	sgt.u32 s22, $0x7C;
	s21 =	sshrl.u32 s17, $0x1  }
0xe: {  	s3 =	sadd.s32 s8, s3;
	s4 =	sadd.s32 s8, s4;
	s12 =	sadd.s32 s8, s12  }
0xf: {  	s14 =	sadd.s32 s8, s14;
	s15 =	sadd.s32 s8, s15;
	s21 =	ssub.s32 s17, s21  }
0x10: {  	s20 =	sadd.s32 s8, s20;
	s26 =	sadd.s32 s8, s23;
	s7 =	smul.u32 $0x9, s3  }
0x11: {  	s23 =	sadd.s32 s8, s25;
	s2 =	sshrl.u32 s2, $0x2;
	s10 =	smul.u32 $0x9, s4  }
0x12: {  	v0 =	vmov s8;
	s8 =	simm.s32 $0x7440;
	s3 =	rddreg [dreg:$0x2];
	s12 =	smul.u32 $0x9, s12  }
0x13: {  	s4 =	rddreg [dreg:$0x3];
	_ =	strace $0x80000047;
	s14 =	smul.u32 $0x9, s14  }
0x14: {  	s15 =	smul.u32 $0x9, s15;
	s2 =	sadd.s32 s2, s4;
	s7 =	sadd.s32 s16, s7  }
0x15: {  	s10 =	sadd.s32 s16, s10;
	s12 =	sadd.s32 s16, s12;
	[dreg:$0xe] =	wrdreg s2  }
0x16: {  	s25 =	sadd.s32 s16, s14;
	[dreg:$0x5] =	wrdreg s7;
	s7 =	smul.u32 $0x9, s20  }
0x17: {  	s17 =	sadd.s32 s16, s15;
	[dreg:$0x6] =	wrdreg s10;
	s10 =	smul.u32 $0x9, s26  }
0x18: {  	s14 =	sadd.s32 $0x759400, s6;
	[dreg:$0x7] =	wrdreg s12;
	s26 =	smul.u32 $0x9, s23  }
0x19: {  	s15 =	sadd.s32 $0xA2600, s6;
	[dreg:$0x9] =	wrdreg s17;
	s17 =	smul.u32 $0x4E200, s0  }
0x1a: {  	[dreg:$0x8] =	wrdreg s25;
	s0 =	sshll.u32 s0, $0x4;
	s25 =	smul.u32 $0x5A00, s24  }
0x1b: {  	s12 =	ssub.s32 $0x20, s0;
	s7 =	sadd.s32 s16, s7;
	s20 =	sadd.s32 s16, s10  }
0x1c: {  	s23 =	sadd.s32 s16, s26;
	s16 =	sadd.s32 $0x6200, s6;
	s10 =	smul.u32 $0x5A00, s13  }
0x1d: {  	s26 =	smax.u32 s21, $0x1;
	s13 =	smul.u32 $0x5A00, s18;
	[dreg:$0xa] =	wrdreg s7  }
0x1e: {  	s6 =	sshrl.u32 s25, $0x2;
	[dreg:$0xb] =	wrdreg s20;
	s7 =	smul.u32 $0x5A00, s9  }
0x1f: {  	v1 =	vmov s12;
	s12 =	simm.s32 $0x3;
	[dreg:$0xc] =	wrdreg s23;
	s9 =	smul.u32 $0x5A00, s11  }
0x20: {  	[dreg:$0xd] =	wrdreg s26;
	s21 =	sadd.s32 s6, s4;
	s20 =	smul.u32 $0x5A00, s19  }
0x21: {  	s23 =	smul.u32 $0x5A00, s22;
	s6 =	simm.s32 $0xF0;
	s2 =	sshrl.u32 s10, $0x2  }
0x22: {  	s25 =	sshrl.u32 s13, $0x2;
	s10 =	simm.s32 $0x9740;
	s13 =	simm.s32 $0x0  }
0x23: {  	s0 =	sshrl.u32 s7, $0x2;
	s11 =	sshrl.u32 s9, $0x2;
	s22 =	sadd.s32 s2, s4  }
0x24: {  	s2 =	sadd.s32 s25, s4;
	s26 =	sshrl.u32 s23, $0x2;
	s7 =	simm.s32 $0x3340  }
.Ltmp0:
0x25: {  	s0 =	sadd.s32 s0, s4;
	[dreg:$0x11] =	wrdreg s2;
	(pc) =	sbr.rel .LBB2_1-.Ltmp0, $4  }
0x26: {  	s18 =	sadd.s32 s11, s4;
	[dreg:$0xf] =	wrdreg s0;
	s0 =	sshrl.u32 s20, $0x2  }
0x27: {  	s9 =	simm.s32 $0x1;
	[dreg:$0x10] =	wrdreg s18;
	s0 =	sadd.s32 s0, s4  }
0x28: {  	s2 =	simm.s32 $0xA0;
	[dreg:$0x12] =	wrdreg s0;
	s0 =	sadd.s32 s26, s4  }
0x29: {  	v2 =	vimm.f32 $0.0e+00;
	v3 =	vlaneseq.u32;
	s11 =	simm.s32 $0x9240;
	[dreg:$0x13] =	wrdreg s0;
	s0 =	simm.s32 $0x140  }
.LBB2_19:
0x2a: {  	[bflag:$0x0] =	sbarrier.arrive $0xFFFF  }
0x2b: {  	[tilespmem:s29], [sflag:$0x3] =	stream.linear.gather [spmem:s25], $0x1680, $0x38;
	[tilespmem:$0x17408] =	vst v63  }
0x2c: {  	_ =	swait.ge [sflag:s12], $0x1680  }
0x2d: {  	[sflag:s12] =	ssyncset.done $0x0  }
0x2e: {  	s18 =	rddreg [dreg:$0x5];
	[sflag:s12] =	ssyncadd.s32 $0xFFFFE980  }
0x2f: {  	[hbm4b:s18+s5] =	stream.linear.scatter [tilespmem:s29], [sflag:$0x2], $0x1680, $0x38;
	[tilespmem:$0x17408] =	vst v63  }
0x30: {  	_ =	swait.ge [sflag:s30], $0x1680  }
0x31: {  	[sflag:s30] =	ssyncset.done $0x0  }
0x32: {  	s19 =	rddreg [dreg:$0xe];
	[sflag:s30] =	ssyncadd.s32 $0xFFFFE980  }
0x33: {  	[tilespmem:s29], [sflag:$0x3] =	stream.linear.gather [spmem:s19], $0x1680, $0x38;
	[tilespmem:$0x17408] =	vst v63  }
0x34: {  	_ =	swait.ge [sflag:s12], $0x1680  }
0x35: {  	[sflag:s12] =	ssyncset.done $0x0  }
0x36: {  	s20 =	rddreg [dreg:$0x6];
	[sflag:s12] =	ssyncadd.s32 $0xFFFFE980  }
0x37: {  	[hbm4b:s20+s5] =	stream.linear.scatter [tilespmem:s29], [sflag:$0x2], $0x1680, $0x38;
	[tilespmem:$0x17408] =	vst v63  }
0x38: {  	_ =	swait.ge [sflag:s30], $0x1680  }
0x39: {  	[sflag:s30] =	ssyncset.done $0x0  }
0x3a: {  	s22 =	rddreg [dreg:$0xf];
	[sflag:s30] =	ssyncadd.s32 $0xFFFFE980  }
0x3b: {  	[tilespmem:s29], [sflag:$0x3] =	stream.linear.gather [spmem:s22], $0x1680, $0x38;
	[tilespmem:$0x17408] =	vst v63  }
0x3c: {  	_ =	swait.ge [sflag:s12], $0x1680  }
0x3d: {  	[sflag:s12] =	ssyncset.done $0x0  }
0x3e: {  	s23 =	rddreg [dreg:$0x7];
	[sflag:s12] =	ssyncadd.s32 $0xFFFFE980  }
0x3f: {  	[hbm4b:s23+s5] =	stream.linear.scatter [tilespmem:s29], [sflag:$0x2], $0x1680, $0x38;
	[tilespmem:$0x17408] =	vst v63  }
0x40: {  	_ =	swait.ge [sflag:s30], $0x1680  }
0x41: {  	[sflag:s30] =	ssyncset.done $0x0  }
0x42: {  	s24 =	rddreg [dreg:$0x10];
	[sflag:s30] =	ssyncadd.s32 $0xFFFFE980  }
0x43: {  	[tilespmem:s29], [sflag:$0x3] =	stream.linear.gather [spmem:s24], $0x1680, $0x38;
	[tilespmem:$0x17408] =	vst v63  }
0x44: {  	_ =	swait.ge [sflag:s12], $0x1680  }
0x45: {  	[sflag:s12] =	ssyncset.done $0x0  }
0x46: {  	s21 =	smov.u32 s25;
	s25 =	rddreg [dreg:$0x8];
	[sflag:s12] =	ssyncadd.s32 $0xFFFFE980  }
0x47: {  	[hbm4b:s25+s5] =	stream.linear.scatter [tilespmem:s29], [sflag:$0x2], $0x1680, $0x38;
	[tilespmem:$0x17408] =	vst v63  }
0x48: {  	_ =	swait.ge [sflag:s30], $0x1680  }
0x49: {  	[sflag:s30] =	ssyncset.done $0x0  }
0x4a: {  	[sflag:s30] =	ssyncadd.s32 $0xFFFFE980  }
0x4b: {  	[tilespmem:s29], [sflag:$0x3] =	stream.linear.gather [spmem:s26], $0x1680, $0x38;
	[tilespmem:$0x17408] =	vst v63  }
0x4c: {  	_ =	swait.ge [sflag:s12], $0x1680  }
0x4d: {  	[sflag:s12] =	ssyncset.done $0x0  }
0x4e: {  	s19 =	rddreg [dreg:$0x9];
	[sflag:s12] =	ssyncadd.s32 $0xFFFFE980  }
0x4f: {  	[hbm4b:s19+s5] =	stream.linear.scatter [tilespmem:s29], [sflag:$0x2], $0x1680, $0x38;
	[tilespmem:$0x17408] =	vst v63  }
0x50: {  	_ =	swait.ge [sflag:s30], $0x1680  }
0x51: {  	[sflag:s30] =	ssyncset.done $0x0  }
0x52: {  	s20 =	rddreg [dreg:$0x11];
	[sflag:s30] =	ssyncadd.s32 $0xFFFFE980  }
0x53: {  	[tilespmem:s29], [sflag:$0x3] =	stream.linear.gather [spmem:s20], $0x1680, $0x38;
	[tilespmem:$0x17408] =	vst v63  }
0x54: {  	_ =	swait.ge [sflag:s12], $0x1680  }
0x55: {  	[sflag:s12] =	ssyncset.done $0x0  }
0x56: {  	s23 =	rddreg [dreg:$0xa];
	[sflag:s12] =	ssyncadd.s32 $0xFFFFE980  }
0x57: {  	[hbm4b:s23+s5] =	stream.linear.scatter [tilespmem:s29], [sflag:$0x2], $0x1680, $0x38;
	[tilespmem:$0x17408] =	vst v63  }
0x58: {  	_ =	swait.ge [sflag:s30], $0x1680  }
0x59: {  	[sflag:s30] =	ssyncset.done $0x0  }
0x5a: {  	s24 =	rddreg [dreg:$0x12];
	[sflag:s30] =	ssyncadd.s32 $0xFFFFE980  }
0x5b: {  	[tilespmem:s29], [sflag:$0x3] =	stream.linear.gather [spmem:s24], $0x1680, $0x38;
	[tilespmem:$0x17408] =	vst v63  }
0x5c: {  	_ =	swait.ge [sflag:s12], $0x1680  }
0x5d: {  	[sflag:s12] =	ssyncset.done $0x0  }
0x5e: {  	s25 =	rddreg [dreg:$0xb];
	[sflag:s12] =	ssyncadd.s32 $0xFFFFE980  }
0x5f: {  	[hbm4b:s25+s5] =	stream.linear.scatter [tilespmem:s29], [sflag:$0x2], $0x1680, $0x38;
	[tilespmem:$0x17408] =	vst v63  }
0x60: {  	_ =	swait.ge [sflag:s30], $0x1680  }
0x61: {  	[sflag:s30] =	ssyncset.done $0x0  }
0x62: {  	s18 =	simm.s32 @!p1 $0x15D88;
	s19 =	rddreg [dreg:$0x13];
	[sflag:s30] =	ssyncadd.s32 $0xFFFFE980  }
0x63: {  	[tilespmem:s18], [sflag:$0x3] =	stream.linear.gather @!p1 [spmem:s19], $0x1680, $0x38;
	[tilespmem:$0x17408] =	vst v63  }
0x64: {  	s19 =	simm.s32 @!p1 $0x3  }
0x65: {  	_ =	swait.ge @!p1 [sflag:s19], $0x1680  }
0x66: {  	[sflag:s19] =	ssyncset.done @!p1 $0x0  }
0x67: {  	s20 =	rddreg [dreg:$0xc];
	[sflag:s19] =	ssyncadd.s32 @!p1 $0xFFFFE980;
	s19 =	simm.s32 @!p1 $0x0  }
0x68: {  	[hbm4b:s20+s19] =	stream.linear.scatter @!p1 [tilespmem:s18], [sflag:$0x2], $0x1680, $0x38;
	[tilespmem:$0x17408] =	vst v63  }
0x69: {  	s18 =	simm.s32 @!p1 $0x2  }
0x6a: {  	_ =	swait.ge @!p1 [sflag:s18], $0x1680  }
0x6b: {  	s13 =	sadd.s32 $0x1, s13;
	s22 =	smov.u32 s26;
	s26 =	rddreg [dreg:$0xd]  }
0x6c: {  	p2 =	sne.s32 s13, s26  }
.Ltmp1:
0x6d: {  	_ = 	snop;
	(pc) =	sbr.rel @!p2 .LBB2_20-.Ltmp1, $3  }
0x6e: {  	_ =	sdelay $0x1  }
0x6f: {  	[sflag:s18] =	ssyncset.done @!p1 $0x0  }
0x70: {  	[sflag:s18] =	ssyncadd.s32 @!p1 $0xFFFFE980  }
.LBB2_1:
0x71: {  	s18 =	simm.s32 $0x0  }
0x72: {  	s19 =	simm.s32 $0x120;
	[tilespmem:s18+$0x15DA8] =	vst v2  }
.LBB2_2:
0x73: {  	p2 =	sne.s32 s19, $0x58E0;
	[tilespmem:s18+$0x15D98] =	vst v2;
	s20 =	smov.u32 s19;
	s19 =	sadd.s32 $0x120, s19  }
.Ltmp2:
0x74: {  	[tilespmem:s18+$0x15DB8] =	vst v2;
	(pc) =	sbr.rel @p2 .LBB2_2-.Ltmp2, $4  }
0x75: {  	[tilespmem:s18+$0x15DC0] =	vst v2  }
0x76: {  	[tilespmem:s18+$0x15D88] =	vst v2  }
0x77: {  	s18 =	sshra.s32 s20, $0x2  }
0x78: {  	[tilespmem:s18+$0x15DA8] =	vst v2  }
0x79: {  	[tilespmem:s18+$0x15D98] =	vst v2  }
0x7a: {  	[tilespmem:s18+$0x15DB8] =	vst v2  }
0x7b: {  	[tilespmem:s18+$0x15D88] =	vst v2  }
0x7c: {  	[tilespmem:s18+$0x15DC0] =	vst v2  }
0x7d: {  	[spmem:s21] =	stream.linear.scatter [tilespmem:s29], [sflag:$0x2], $0x1680, $0x38;
	[tilespmem:$0x17408] =	vst v63  }
0x7e: {  	_ =	swait.ge [sflag:s30], $0x1680  }
0x7f: {  	[sflag:s30] =	ssyncset.done $0x0  }
0x80: {  	s19 =	rddreg [dreg:$0xe];
	[sflag:s30] =	ssyncadd.s32 $0xFFFFE980  }
0x81: {  	[spmem:s19] =	stream.linear.scatter [tilespmem:s29], [sflag:$0x2], $0x1680, $0x38;
	[tilespmem:$0x17408] =	vst v63  }
0x82: {  	_ =	swait.ge [sflag:s30], $0x1680  }
0x83: {  	[sflag:s30] =	ssyncset.done $0x0  }
0x84: {  	s20 =	rddreg [dreg:$0xf];
	[sflag:s30] =	ssyncadd.s32 $0xFFFFE980  }
0x85: {  	[spmem:s20] =	stream.linear.scatter [tilespmem:s29], [sflag:$0x2], $0x1680, $0x38;
	[tilespmem:$0x17408] =	vst v63  }
0x86: {  	_ =	swait.ge [sflag:s30], $0x1680  }
0x87: {  	[sflag:s30] =	ssyncset.done $0x0  }
0x88: {  	s25 =	smov.u32 s21;
	s21 =	rddreg [dreg:$0x10];
	[sflag:s30] =	ssyncadd.s32 $0xFFFFE980  }
0x89: {  	[spmem:s21] =	stream.linear.scatter [tilespmem:s29], [sflag:$0x2], $0x1680, $0x38;
	[tilespmem:$0x17408] =	vst v63  }
0x8a: {  	_ =	swait.ge [sflag:s30], $0x1680  }
0x8b: {  	[sflag:s30] =	ssyncset.done $0x0  }
0x8c: {  	[sflag:s30] =	ssyncadd.s32 $0xFFFFE980  }
0x8d: {  	[spmem:s22] =	stream.linear.scatter [tilespmem:s29], [sflag:$0x2], $0x1680, $0x38;
	[tilespmem:$0x17408] =	vst v63  }
0x8e: {  	_ =	swait.ge [sflag:s30], $0x1680  }
0x8f: {  	[sflag:s30] =	ssyncset.done $0x0  }
0x90: {  	s23 =	rddreg [dreg:$0x11];
	[sflag:s30] =	ssyncadd.s32 $0xFFFFE980  }
0x91: {  	[spmem:s23] =	stream.linear.scatter [tilespmem:s29], [sflag:$0x2], $0x1680, $0x38;
	[tilespmem:$0x17408] =	vst v63  }
0x92: {  	_ =	swait.ge [sflag:s30], $0x1680  }
0x93: {  	[sflag:s30] =	ssyncset.done $0x0  }
0x94: {  	s24 =	rddreg [dreg:$0x12];
	[sflag:s30] =	ssyncadd.s32 $0xFFFFE980  }
0x95: {  	[spmem:s24] =	stream.linear.scatter [tilespmem:s29], [sflag:$0x2], $0x1680, $0x38;
	[tilespmem:$0x17408] =	vst v63  }
0x96: {  	_ =	swait.ge [sflag:s30], $0x1680  }
0x97: {  	[sflag:s30] =	ssyncset.done $0x0  }
0x98: {  	s18 =	simm.s32 @!p1 $0x15D88;
	s19 =	rddreg [dreg:$0x13];
	[sflag:s30] =	ssyncadd.s32 $0xFFFFE980  }
0x99: {  	[spmem:s19] =	stream.linear.scatter @!p1 [tilespmem:s18], [sflag:$0x2], $0x1680, $0x38;
	[tilespmem:$0x17408] =	vst v63  }
0x9a: {  	s18 =	simm.s32 @!p1 $0x2  }
0x9b: {  	_ =	swait.ge @!p1 [sflag:s18], $0x1680  }
0x9c: {  	s26 =	smov.u32 s22;
	[sflag:s18] =	ssyncset.done @!p1 $0x0  }
0x9d: {  	s19 =	simm.s32 $0x38;
	[sflag:s18] =	ssyncadd.s32 @!p1 $0xFFFFE980;
	s18 =	simm.s32 $0x200  }
.LBB2_4:
0x9e: {  	p2 =	sne.s32 s18, $0x59C0;
	[tilespmem:s19+$0x9740] =	vst v2;
	s19 =	smov.u32 s18;
	s18 =	sadd.s32 $0x120, s18  }
.Ltmp3:
0x9f: {  	(pc) =	sbr.rel @p2 .LBB2_4-.Ltmp3, $2  }
0xa0: {  	_ =	sdelay $0x2  }
0xa1: {  	s19 =	sshra.s32 s19, $0x2  }
.Ltmp4:
0xa2: {  	(pc) =	sbr.rel .LBB2_6-.Ltmp4, $4  }
0xa3: {  	_ = 	snop  }
0xa4: {  	[tilespmem:s19+$0x9740] =	vst v2  }
0xa5: {  	[bflag:$0x0] =	sbarrier.arrive $0xFFFF  }
0xa6: {  	s18 =	simm.s32 $0x0;
	s19 =	simm.s32 $0x0  }
.LBB2_18:
0xa7: {  	s19 =	sadd.s32 $0x1, s19  }
0xa8: {  	p2 =	sne.s32 s19, $0xFA  }
.Ltmp5:
0xa9: {  	_ = 	snop;
	(pc) =	sbr.rel @!p2 .LBB2_19-.Ltmp5, $4  }
0xaa: {  	[spmem:s4] =	stream.indirect.scatter.add.f32 [tilespmem:s10], [sflag:$0x2], $0x48, s5, s31, $0xb8;
	[tilespmem:$0x17408] =	vst v63  }
0xab: {  	_ =	swait.ge [sflag:s30], $0x1680  }
0xac: {  	[sflag:s30] =	ssyncset.done $0x0  }
0xad: {  	[sflag:s30] =	ssyncadd.s32 $0xFFFFE980  }
.LBB2_6:
0xae: {  	s20 =	smul.u32 $0x50, s19;
	_ =	sdelay $0x1  }
0xaf: {  	s20 =	sadd.s32 s28, s20  }
0xb0: {  	s21 =	sadd.s32 s17, s20  }
0xb1: {  	s22 =	sshrl.u32 s21, $0x3  }
0xb2: {  	s24 =	ssub.s32 s20, s17;
	s22 =	sadd.s32 s1, s22  }
0xb3: {  	[tilespmem:s18], [sflag:$0x2] =	stream.linear.gather [hbm4b:s22+s18], $0x50, $0x38;
	[tilespmem:$0x17408] =	vst v63  }
0xb4: {  	s22 =	sadd.s32 $0x4E200, s24;
	_ =	swait.ge [sflag:s30], $0x50  }
0xb5: {  	s22 =	sshrl.u32 s22, $0x3;
	[sflag:s30] =	ssyncset.done $0x0  }
0xb6: {  	s22 =	sadd.s32 s1, s22;
	[sflag:s30] =	ssyncadd.s32 $0xFFFFFFB0  }
0xb7: {  	[tilespmem:s31], [sflag:$0x2] =	stream.linear.gather [hbm4b:s22+s18], $0x50, $0x38;
	[tilespmem:$0x17408] =	vst v63  }
0xb8: {  	_ =	swait.ge [sflag:s30], $0x50  }
0xb9: {  	[sflag:s30] =	ssyncset.done $0x0  }
0xba: {  	[sflag:s30] =	ssyncadd.s32 $0xFFFFFFB0  }
0xbb: {  	v4 =	vld [tilespmem:$0x0]  }
0xbc: {  	v5 =	vld [tilespmem:$0x50]  }
0xbd: {  	v6 =	vld [tilespmem:$0x10]  }
0xbe: {  	v7 =	vld [tilespmem:$0x60]  }
0xbf: {  	v8 =	vld [tilespmem:$0x20]  }
0xc0: {  	v9 =	vld [tilespmem:$0x70];
	v4 =	vadd.s32 v0, v4  }
0xc1: {  	[tilespmem:$0xA0] =	vst v4;
	v4 =	vadd.s32 v0, v5;
	v5 =	vld [tilespmem:$0x30]  }
0xc2: {  	v61 =	vld [tilespmem:$0x80];
	[tilespmem:$0xF0] =	vst v4;
	v4 =	vadd.s32 v0, v6  }
0xc3: {  	v62 =	vld [tilespmem:$0x40];
	[tilespmem:$0xB0] =	vst v4;
	v4 =	vadd.s32 v0, v7  }
0xc4: {  	v63 =	vld [tilespmem:$0x90];
	[tilespmem:$0x100] =	vst v4;
	v4 =	vadd.s32 v0, v8  }
0xc5: {  	[tilespmem:$0xC0] =	vst v4;
	v4 =	vadd.s32 v0, v9  }
0xc6: {  	[tilespmem:$0x110] =	vst v4;
	v4 =	vadd.s32 v0, v5  }
0xc7: {  	[tilespmem:$0xD0] =	vst v4;
	v4 =	vadd.s32 v0, v61  }
0xc8: {  	[tilespmem:$0x120] =	vst v4;
	v4 =	vadd.s32 v0, v62  }
0xc9: {  	[tilespmem:$0xE0] =	vst v4;
	v4 =	vadd.s32 v0, v63  }
0xca: {  	[tilespmem:$0x130] =	vst v4  }
0xcb: {  	[tilespmem:s0], [sflag:$0x1] =	stream.indirect.gather [hbm4b:s15+s31], $0xA0, s2, s31, $0xb8;
	[tilespmem:$0x17408] =	vst v63  }
0xcc: {  	s21 =	smul.u32 $0xC, s21  }
0xcd: {  	[tilespmem:s7], [sflag:$0x1] =	stream.indirect.gather [hbm4b:s16+s31], $0xD0, s6, s31, $0xb8;
	[tilespmem:$0x17408] =	vst v63  }
0xce: {  	s21 =	sadd.s32 s14, s21  }
0xcf: {  	[tilespmem:s8], [sflag:$0x1] =	stream.linear.gather [hbm4b:s21+s18], $0x1E00, $0x38;
	[tilespmem:$0x17408] =	vst v63  }
0xd0: {  	_ =	swait.ge [sflag:s9], $0x3200  }
0xd1: {  	[sflag:s9] =	ssyncset.done $0x0  }
0xd2: {  	[sflag:s9] =	ssyncadd.s32 $0xFFFFCE00  }
0xd3: {  	_ =	swait.ge [sflag:s9], $0x4100  }
.Ltmp6:
0xd4: {  	[sflag:s9] =	ssyncset.done $0x0;
	(pc) =	sbr.rel .LBB2_7-.Ltmp6, $4  }
0xd5: {  	[sflag:s9] =	ssyncadd.s32 $0xFFFFBF00  }
0xd6: {  	_ =	swait.ge [sflag:s9], $0x1E00  }
0xd7: {  	[sflag:s9] =	ssyncset.done $0x0  }
0xd8: {  	s21 =	simm.s32 $0x0;
	[sflag:s9] =	ssyncadd.s32 $0xFFFFE200  }
.LBB2_21:
0xd9: {  	s21 =	sadd.s32 $0x1, s21  }
0xda: {  	p2 =	seq.s32 s21, $0x5  }
.Ltmp7:
0xdb: {  	_ = 	snop;
	(pc) =	sbr.rel @p2 .LBB2_18-.Ltmp7, $1  }
0xdc: {  	_ =	sdelay $0x3  }
.LBB2_7:
0xdd: {  	s24 =	simm.s32 $0x0  }
0xde: {  	v21 =	vmov s24  }
0xdf: {  	s22 =	sshll.u32 s21, $0x4;
	v21 =	vshrl.u32 v21, $0x3  }
0xe0: {  	v6 =	vor.u32 s22, v3;
	v21 =	vshll.u32 v21, $0x3  }
0xe1: {  	v4 =	vmul.u32 $0xA0, v6;
	v24 =	vbroadcast v21, $0x0  }
0xe2: {  	v5 =	vmul.u32 $0xD0, v6  }
0xe3: {  	v21 =	vadd.s32 v4, v24  }
0xe4: {  	v16 =	vor.u32 $0x1, v4;
	v23 =	vadd.s32 v5, v24  }
0xe5: {  	v19 =	vor.u32 $0x1, v5;
	v25 =	vadd.s32 v16, v24  }
0xe6: {  	v17 =	vor.u32 $0x2, v4;
	v26 =	vadd.s32 v19, v24  }
0xe7: {  	v20 =	vor.u32 $0x2, v5;
	v27 =	vadd.s32 v17, v24  }
0xe8: {  	v14 =	vor.u32 $0x3, v4;
	v28 =	vadd.s32 v20, v24;
	v21 =	vld.idx.msk [tilespmem:v21+s0+$0x0], $0xffff  }
0xe9: {  	v18 =	vor.u32 $0x3, v5;
	v29 =	vadd.s32 v14, v24;
	v23 =	vld.idx.msk [tilespmem:v23+s7+$0x0], $0xffff  }
0xea: {  	v22 =	vimm.f32 $0.0e+00;
	s22 =	simm.s32 $0x8;
	v12 =	vor.u32 $0x4, v4;
	v30 =	vadd.s32 v18, v24;
	v25 =	vld.idx.msk [tilespmem:v25+s0+$0x0], $0xffff  }
0xeb: {  	v34 =	vmov s22;
	v15 =	vor.u32 $0x4, v5;
	v31 =	vadd.s32 v12, v24;
	v26 =	vld.idx.msk [tilespmem:v26+s7+$0x0], $0xffff  }
0xec: {  	v34 =	vshrl.u32 v34, $0x3;
	v8 =	vor.u32 $0x6, v4;
	v32 =	vadd.s32 v15, v24;
	v27 =	vld.idx.msk [tilespmem:v27+s0+$0x0], $0xffff  }
0xed: {  	v10 =	vor.u32 $0x5, v4;
	v7 =	vor.u32 $0x7, v4;
	v36 =	vadd.s32 v8, v24;
	v33 =	vld.idx.msk [tilespmem:v28+s7+$0x0], $0xffff  }
0xee: {  	v13 =	vor.u32 $0x5, v5;
	v11 =	vor.u32 $0x6, v5;
	v28 =	vadd.s32 v10, v24;
	v29 =	vld.idx.msk [tilespmem:v29+s0+$0x0], $0xffff  }
0xef: {  	v9 =	vor.u32 $0x7, v5;
	v35 =	vadd.s32 v13, v24;
	v30 =	vld.idx.msk [tilespmem:v30+s7+$0x0], $0xffff;
	v23 =	vmul.f32 v23, v21  }
0xf0: {  	v34 =	vshll.u32 v34, $0x3;
	v37 =	vadd.s32 v11, v24;
	v62 =	vadd.s32 v9, v24;
	v31 =	vld.idx.msk [tilespmem:v31+s0+$0x0], $0xffff  }
0xf1: {  	v38 =	vld.idx.msk [tilespmem:v32+s7+$0x0], $0xffff;
	v21 =	vbroadcast v34, $0x0;
	v25 =	vmul.f32 v26, v25;
	v22 =	vadd.f32 v23, v22  }
0xf2: {  	v61 =	vadd.s32 v7, v24;
	v24 =	vld.idx.msk [tilespmem:v36+s0+$0x0], $0xffff  }
0xf3: {  	v23 =	vld.idx.msk [tilespmem:v28+s0+$0x0], $0xffff;
	v39 =	vadd.s32 v4, v21;
	v22 =	vadd.f32 v25, v22;
	v25 =	vmul.f32 v33, v27  }
0xf4: {  	v28 =	vld.idx.msk [tilespmem:v35+s7+$0x0], $0xffff;
	v33 =	vadd.s32 v5, v21  }
0xf5: {  	v26 =	vld.idx.msk [tilespmem:v37+s7+$0x0], $0xffff;
	v63 =	vmul.f32 v30, v29;
	v32 =	vadd.s32 v16, v21;
	v25 =	vadd.f32 v25, v22  }
0xf6: {  	v30 =	vadd.s32 v19, v21;
	v27 =	vld.idx.msk [tilespmem:v62+s7+$0x0], $0xffff  }
0xf7: {  	v29 =	vadd.s32 v17, v21;
	v35 =	vmul.f32 v38, v31;
	v22 =	vld.idx.msk [tilespmem:v61+s0+$0x0], $0xffff;
	v34 =	vadd.f32 v63, v25  }
0xf8: {  	v31 =	vadd.s32 v20, v21;
	v25 =	vld.idx.msk [tilespmem:v39+s0+$0x0], $0xffff  }
.LBB2_8:
0xf9: {  	s22 =	sadd.s32 $0x8, s22;
	v33 =	vld.idx.msk [tilespmem:v33+s7+$0x0], $0xffff;
	v36 =	vadd.s32 v14, v21;
	v34 =	vadd.f32 v35, v34;
	v23 =	vmul.f32 v28, v23  }
0xfa: {  	v35 =	vadd.s32 v18, v21;
	v28 =	vmov s22;
	v32 =	vld.idx.msk [tilespmem:v32+s0+$0x0], $0xffff  }
0xfb: {  	v37 =	vadd.s32 v12, v21;
	v24 =	vmul.f32 v26, v24;
	v30 =	vld.idx.msk [tilespmem:v30+s7+$0x0], $0xffff;
	v23 =	vadd.f32 v23, v34  }
0xfc: {  	v26 =	vshrl.u32 v28, $0x3;
	v28 =	vld.idx.msk [tilespmem:v29+s0+$0x0], $0xffff;
	v29 =	vadd.s32 v15, v21  }
0xfd: {  	v34 =	vadd.s32 v10, v21;
	v22 =	vmul.f32 v27, v22;
	v31 =	vld.idx.msk [tilespmem:v31+s7+$0x0], $0xffff;
	v23 =	vadd.f32 v24, v23  }
0xfe: {  	p2 =	slt.u32 s22, $0x78;
	v27 =	vadd.s32 v13, v21;
	v24 =	vshll.u32 v26, $0x3;
	v26 =	vld.idx.msk [tilespmem:v36+s0+$0x0], $0xffff  }
0xff: {  	v25 =	vmul.f32 v33, v25;
	v36 =	vadd.s32 v8, v21;
	v35 =	vld.idx.msk [tilespmem:v35+s7+$0x0], $0xffff;
	v22 =	vadd.f32 v22, v23  }
0x100: {  	v38 =	vadd.s32 v11, v21;
	v24 =	vbroadcast v24, $0x0;
	v37 =	vld.idx.msk [tilespmem:v37+s0+$0x0], $0xffff  }
0x101: {  	v22 =	vadd.f32 v25, v22;
	v25 =	vmul.f32 v30, v32;
	v39 =	vld.idx.msk [tilespmem:v29+s7+$0x0], $0xffff;
	v29 =	vadd.s32 v7, v21  }
0x102: {  	v40 =	vadd.s32 v9, v21;
	v21 =	vmov v24;
	v23 =	vld.idx.msk [tilespmem:v34+s0+$0x0], $0xffff  }
0x103: {  	v41 =	vadd.s32 v4, v21;
	v22 =	vadd.f32 v25, v22;
	v25 =	vmul.f32 v31, v28;
	v28 =	vld.idx.msk [tilespmem:v27+s7+$0x0], $0xffff  }
.Ltmp8:
0x104: {  	v33 =	vadd.s32 v5, v21;
	v24 =	vld.idx.msk [tilespmem:v36+s0+$0x0], $0xffff;
	(pc) =	sbr.rel @p2 .LBB2_8-.Ltmp8, $4  }
0x105: {  	v32 =	vadd.s32 v16, v21;
	v27 =	vmul.f32 v35, v26;
	v25 =	vadd.f32 v25, v22;
	v26 =	vld.idx.msk [tilespmem:v38+s7+$0x0], $0xffff  }
0x106: {  	v30 =	vadd.s32 v19, v21;
	v22 =	vld.idx.msk [tilespmem:v29+s0+$0x0], $0xffff  }
0x107: {  	v29 =	vadd.s32 v17, v21;
	v35 =	vmul.f32 v39, v37;
	v34 =	vadd.f32 v27, v25;
	v27 =	vld.idx.msk [tilespmem:v40+s7+$0x0], $0xffff  }
0x108: {  	v31 =	vadd.s32 v20, v21;
	v25 =	vld.idx.msk [tilespmem:v41+s0+$0x0], $0xffff  }
0x109: {  	_ =	sdelay $0x2  }
0x10a: {  	v16 =	vadd.f32 v35, v34;
	v17 =	vmul.f32 v28, v23  }
0x10b: {  	v19 =	vld.idx.msk [tilespmem:v33+s7+$0x0], $0xffff;
	v14 =	vadd.s32 v14, v21  }
0x10c: {  	v20 =	vld.idx.msk [tilespmem:v32+s0+$0x0], $0xffff;
	v18 =	vadd.s32 v18, v21;
	v16 =	vadd.f32 v17, v16;
	v17 =	vmul.f32 v26, v24  }
0x10d: {  	v61 =	vld.idx.msk [tilespmem:v30+s7+$0x0], $0xffff;
	v12 =	vadd.s32 v12, v21  }
0x10e: {  	v62 =	vld.idx.msk [tilespmem:v29+s0+$0x0], $0xffff;
	v15 =	vadd.s32 v15, v21;
	v16 =	vadd.f32 v17, v16;
	v17 =	vmul.f32 v27, v22  }
0x10f: {  	v63 =	vld.idx.msk [tilespmem:v31+s7+$0x0], $0xffff;
	v10 =	vadd.s32 v10, v21  }
0x110: {  	v13 =	vadd.s32 v13, v21;
	v14 =	vld.idx.msk [tilespmem:v14+s0+$0x0], $0xffff;
	v19 =	vmul.f32 v19, v25;
	v16 =	vadd.f32 v17, v16  }
0x111: {  	v8 =	vadd.s32 v8, v21;
	v17 =	vld.idx.msk [tilespmem:v18+s7+$0x0], $0xffff  }
0x112: {  	v11 =	vadd.s32 v11, v21;
	v12 =	vld.idx.msk [tilespmem:v12+s0+$0x0], $0xffff;
	v18 =	vmul.f32 v61, v20;
	v16 =	vadd.f32 v19, v16  }
0x113: {  	v7 =	vadd.s32 v7, v21;
	v15 =	vld.idx.msk [tilespmem:v15+s7+$0x0], $0xffff  }
0x114: {  	v9 =	vadd.s32 v9, v21;
	v10 =	vld.idx.msk [tilespmem:v10+s0+$0x0], $0xffff;
	v16 =	vadd.f32 v18, v16;
	v18 =	vmul.f32 v63, v62  }
0x115: {  	v13 =	vld.idx.msk [tilespmem:v13+s7+$0x0], $0xffff  }
0x116: {  	v8 =	vld.idx.msk [tilespmem:v8+s0+$0x0], $0xffff;
	v14 =	vmul.f32 v17, v14;
	v16 =	vadd.f32 v18, v16  }
0x117: {  	v11 =	vld.idx.msk [tilespmem:v11+s7+$0x0], $0xffff  }
0x118: {  	v7 =	vld.idx.msk [tilespmem:v7+s0+$0x0], $0xffff;
	v12 =	vmul.f32 v15, v12;
	v14 =	vadd.f32 v14, v16  }
0x119: {  	v9 =	vld.idx.msk [tilespmem:v9+s7+$0x0], $0xffff  }
0x11a: {  	v10 =	vmul.f32 v13, v10;
	v12 =	vadd.f32 v12, v14;
	_ =	sdelay $0x1  }
0x11b: {  	v8 =	vmul.f32 v11, v8;
	v10 =	vadd.f32 v10, v12;
	_ =	sdelay $0x1  }
0x11c: {  	v7 =	vmul.f32 v9, v7;
	v9 =	vadd.s32 $0x81, v4;
	v8 =	vadd.f32 v8, v10  }
0x11d: {  	v11 =	vadd.s32 $0x83, v4;
	v13 =	vadd.s32 $0x85, v4;
	v15 =	vadd.s32 $0x87, v4  }
0x11e: {  	v14 =	vadd.s32 $0x86, v4;
	v16 =	vadd.f32 v7, v8;
	v7 =	vmul.u32 $0x60, v6  }
0x11f: {  	s22 =	simm.s32 $0x0;
	p2 =	por $0x1, $0x1;
	v12 =	vadd.s32 $0x84, v4;
	v10 =	vadd.s32 $0x82, v4;
	v8 =	vadd.s32 $0x80, v4  }
.LBB2_10:
0x120: {  	v17 =	vor.u32 s22, v7  }
0x121: {  	v18 =	vor.u32 s22, v8;
	s23 =	sor.u32 $0x1, s22  }
0x122: {  	v19 =	vmov s23  }
0x123: {  	s24 =	sor.u32 $0x2, s22;
	v20 =	vor.u32 s23, v7;
	v19 =	vand.u32 $0x8, v19  }
0x124: {  	v21 =	vmov s24;
	v19 =	vor.u32 v19, v9  }
0x125: {  	v22 =	vor.u32 s24, v7;
	s24 =	sor.u32 $0x3, s22;
	v21 =	vand.u32 $0x8, v21;
	v17 =	vld.idx.msk [tilespmem:v17+s8+$0x0], $0xffff  }
0x126: {  	v23 =	vmov s24;
	v21 =	vor.u32 v21, v10;
	v18 =	vld.idx.msk [tilespmem:v18+s0+$0x0], $0xffff  }
0x127: {  	v24 =	vor.u32 s24, v7;
	s24 =	sor.u32 $0x4, s22;
	v23 =	vand.u32 $0x8, v23  }
0x128: {  	v25 =	vmov s24;
	v26 =	vor.u32 s24, v7;
	s24 =	sor.u32 $0x5, s22;
	v23 =	vor.u32 v23, v11;
	v20 =	vld.idx.msk [tilespmem:v20+s8+$0x0], $0xffff  }
0x129: {  	v25 =	vand.u32 $0x8, v25;
	v27 =	vmov s24;
	v19 =	vld.idx.msk [tilespmem:v19+s0+$0x0], $0xffff  }
0x12a: {  	v55 =	vor.u32 s24, v7;
	s24 =	sor.u32 $0x6, s22;
	v25 =	vor.u32 v25, v12;
	v27 =	vand.u32 $0x8, v27;
	v22 =	vld.idx.msk [tilespmem:v22+s8+$0x0], $0xffff  }
0x12b: {  	v28 =	vmov s24;
	v27 =	vor.u32 v27, v13;
	v17 =	vmul.f32 v18, v17;
	v18 =	vld.idx.msk [tilespmem:v21+s0+$0x0], $0xffff  }
0x12c: {  	v28 =	vand.u32 $0x8, v28;
	v24 =	vld.idx.msk [tilespmem:v24+s8+$0x0], $0xffff  }
0x12d: {  	v56 =	vor.u32 s24, v7;
	s24 =	sor.u32 $0x7, s22;
	v58 =	vor.u32 v28, v14;
	v16 =	vadd.f32 v17, v16;
	v17 =	vld.idx.msk [tilespmem:v23+s0+$0x0], $0xffff  }
0x12e: {  	v59 =	vmov s24;
	v57 =	vld.idx.msk [tilespmem:v26+s8+$0x0], $0xffff;
	v19 =	vmul.f32 v19, v20  }
0x12f: {  	v29 =	vor.u32 s24, v7;
	v28 =	vand.u32 $0x8, v59;
	v25 =	vld.idx.msk [tilespmem:v25+s0+$0x0], $0xffff  }
0x130: {  	v60 =	vor.u32 v28, v15;
	v61 =	vld.idx.msk [tilespmem:v27+s0+$0x0], $0xffff;
	v16 =	vadd.f32 v19, v16;
	v18 =	vmul.f32 v18, v22  }
0x131: {  	v19 =	vld.idx.msk [tilespmem:v55+s8+$0x0], $0xffff  }
0x132: {  	v62 =	vld.idx.msk [tilespmem:v58+s0+$0x0], $0xffff;
	v16 =	vadd.f32 v18, v16;
	v17 =	vmul.f32 v17, v24  }
0x133: {  	v18 =	vld.idx.msk [tilespmem:v56+s8+$0x0], $0xffff  }
0x134: {  	v63 =	vld.idx.msk [tilespmem:v29+s8+$0x0], $0xffff;
	v16 =	vadd.f32 v17, v16;
	v17 =	vmul.f32 v25, v57  }
0x135: {  	v21 =	vld.idx.msk [tilespmem:v60+s0+$0x0], $0xffff  }
0x136: {  	v16 =	vadd.f32 v17, v16;
	v17 =	vmul.f32 v61, v19  }
0x137: {  	p3 =	por p2, p2  }
.Ltmp9:
0x138: {  	v16 =	vadd.f32 v17, v16;
	v17 =	vmul.f32 v62, v18;
	(pc) =	sbr.rel @p3 .LBB2_10-.Ltmp9, $3  }
0x139: {  	_ = 	snop  }
0x13a: {  	v16 =	vadd.f32 v17, v16;
	v17 =	vmul.f32 v21, v63;
	_ =	sdelay $0x1  }
0x13b: {  	p2 =	por $0x0, $0x0;
	s22 =	simm.s32 $0x8;
	v16 =	vadd.f32 v17, v16  }
0x13c: {  	v8 =	vadd.s32 $0x80, v5;
	s22 =	simm.s32 $0x0  }
0x13d: {  	v9 =	vadd.s32 v1, v7;
	v10 =	vadd.s32 s22, v8  }
0x13e: {  	v11 =	vmul.f32 $1.442695020e+00, v16;
	v12 =	vadd.s32 s22, v9;
	_ =	sdelay $0x1  }
0x13f: {  	(erf) = vpow2.f32 v11;
	_ =	sdelay $0x1  }
0x140: {  	v13 =	vld.idx.msk [tilespmem:v10+s7+$0x0], $0xffff  }
0x141: {  	v14 =	vld.idx.msk [tilespmem:v12+s8+$0x0], $0xffff;
	_ =	sdelay $0x1  }
0x142: {  	v15 =	vmov s22;
	v10 =	vmul.u32 $0x48, v6  }
0x143: {  	v16 =	vadd.s32 s22, v1;
	v33 =	vand.u32 $0x38, v15  }
0x144: {  	v32 =	vand.u32 $0x78, v16;
	v11 =	vadd.s32 $0x81, v5;
	v15 =	vadd.s32 s22, v10  }
0x145: {  	v16 =	vadd.s32 v33, v11;
	v12 =	vor.u32 $0x1, v7;
	v14 =	vadd.f32 v14, v13  }
0x146: {  	v17 =	vadd.s32 v12, v32;
	v13 =	vpop (erf)  }
0x147: {  	v14 =	vmul.f32 v14, v13;
	_ =	sdelay $0x1  }
0x148: {  	[tilespmem:v15+s10+$0x0] =	vst.idx.msk $0xffff, v14  }
0x149: {  	v18 =	vld.idx.msk [tilespmem:v16+s7+$0x0], $0xffff  }
0x14a: {  	v17 =	vld.idx.msk [tilespmem:v17+s8+$0x0], $0xffff;
	_ =	sdelay $0x2  }
0x14b: {  	v14 =	vor.u32 $0x1, v10  }
0x14c: {  	v15 =	vadd.s32 $0x82, v5;
	v19 =	vadd.s32 v14, v33  }
0x14d: {  	v16 =	vor.u32 $0x2, v7;
	v17 =	vadd.f32 v17, v18;
	v18 =	vadd.s32 v33, v15  }
0x14e: {  	v20 =	vadd.s32 v16, v32  }
0x14f: {  	v17 =	vmul.f32 v17, v13;
	_ =	sdelay $0x1  }
0x150: {  	[tilespmem:v19+s10+$0x0] =	vst.idx.msk $0xffff, v17  }
0x151: {  	v21 =	vld.idx.msk [tilespmem:v18+s7+$0x0], $0xffff  }
0x152: {  	v20 =	vld.idx.msk [tilespmem:v20+s8+$0x0], $0xffff;
	_ =	sdelay $0x2  }
0x153: {  	v17 =	vor.u32 $0x2, v10  }
0x154: {  	v18 =	vadd.s32 $0x83, v5;
	v22 =	vadd.s32 v17, v33  }
0x155: {  	v19 =	vor.u32 $0x3, v7;
	v20 =	vadd.f32 v20, v21;
	v21 =	vadd.s32 v33, v18  }
0x156: {  	v23 =	vadd.s32 v19, v32  }
0x157: {  	v20 =	vmul.f32 v20, v13;
	_ =	sdelay $0x1  }
0x158: {  	[tilespmem:v22+s10+$0x0] =	vst.idx.msk $0xffff, v20  }
0x159: {  	v24 =	vld.idx.msk [tilespmem:v21+s7+$0x0], $0xffff  }
0x15a: {  	v23 =	vld.idx.msk [tilespmem:v23+s8+$0x0], $0xffff;
	_ =	sdelay $0x2  }
0x15b: {  	v20 =	vor.u32 $0x3, v10  }
0x15c: {  	v21 =	vadd.s32 $0x84, v5;
	v25 =	vadd.s32 v20, v33  }
0x15d: {  	v22 =	vor.u32 $0x4, v7;
	v23 =	vadd.f32 v23, v24;
	v24 =	vadd.s32 v33, v21  }
0x15e: {  	v26 =	vadd.s32 v22, v32  }
0x15f: {  	v23 =	vmul.f32 v23, v13;
	_ =	sdelay $0x1  }
0x160: {  	[tilespmem:v25+s10+$0x0] =	vst.idx.msk $0xffff, v23  }
0x161: {  	v27 =	vld.idx.msk [tilespmem:v24+s7+$0x0], $0xffff  }
0x162: {  	v26 =	vld.idx.msk [tilespmem:v26+s8+$0x0], $0xffff;
	_ =	sdelay $0x2  }
0x163: {  	v23 =	vor.u32 $0x4, v10  }
0x164: {  	v24 =	vadd.s32 $0x85, v5;
	v28 =	vadd.s32 v23, v33  }
0x165: {  	v25 =	vor.u32 $0x5, v7;
	v26 =	vadd.f32 v26, v27;
	v27 =	vadd.s32 v33, v24  }
0x166: {  	v29 =	vadd.s32 v25, v32  }
0x167: {  	v26 =	vmul.f32 v26, v13;
	_ =	sdelay $0x1  }
0x168: {  	[tilespmem:v28+s10+$0x0] =	vst.idx.msk $0xffff, v26  }
0x169: {  	v30 =	vld.idx.msk [tilespmem:v27+s7+$0x0], $0xffff  }
0x16a: {  	v29 =	vld.idx.msk [tilespmem:v29+s8+$0x0], $0xffff;
	_ =	sdelay $0x2  }
0x16b: {  	v26 =	vor.u32 $0x5, v10  }
0x16c: {  	v27 =	vadd.s32 $0x86, v5;
	v31 =	vadd.s32 v26, v33  }
0x16d: {  	v28 =	vor.u32 $0x6, v7;
	v29 =	vadd.f32 v29, v30;
	v30 =	vadd.s32 v33, v27  }
0x16e: {  	v34 =	vadd.s32 v28, v32  }
0x16f: {  	v29 =	vmul.f32 v29, v13;
	_ =	sdelay $0x1  }
0x170: {  	[tilespmem:v31+s10+$0x0] =	vst.idx.msk $0xffff, v29  }
0x171: {  	v35 =	vld.idx.msk [tilespmem:v30+s7+$0x0], $0xffff  }
0x172: {  	v34 =	vld.idx.msk [tilespmem:v34+s8+$0x0], $0xffff;
	_ =	sdelay $0x2  }
0x173: {  	v29 =	vor.u32 $0x6, v10  }
0x174: {  	v30 =	vadd.s32 $0x87, v5;
	v36 =	vadd.s32 v29, v33  }
0x175: {  	v31 =	vor.u32 $0x7, v7;
	v62 =	vadd.s32 v33, v30;
	v34 =	vadd.f32 v34, v35  }
0x176: {  	v37 =	vadd.s32 v31, v32  }
0x177: {  	v63 =	vmul.f32 v34, v13;
	_ =	sdelay $0x1  }
0x178: {  	[tilespmem:v36+s10+$0x0] =	vst.idx.msk $0xffff, v63  }
0x179: {  	v32 =	vor.u32 $0x7, v10;
	v34 =	vld.idx.msk [tilespmem:v62+s7+$0x0], $0xffff  }
0x17a: {  	v35 =	vadd.s32 v32, v33;
	v36 =	vld.idx.msk [tilespmem:v37+s8+$0x0], $0xffff  }
.LBB2_12:
0x17b: {  	_ =	sdelay $0x2  }
0x17c: {  	s22 =	sadd.s32 $0x8, s22  }
0x17d: {  	v37 =	vadd.s32 s22, v8;
	v38 =	vadd.s32 s22, v9;
	p2 =	slt.u32 s22, $0x38;
	v36 =	vadd.f32 v36, v34  }
0x17e: {  	v33 =	vmov s22;
	v34 =	vadd.s32 s22, v1  }
0x17f: {  	v33 =	vand.u32 $0x38, v33;
	v34 =	vand.u32 $0x78, v34;
	v36 =	vmul.f32 v36, v13;
	_ =	sdelay $0x1  }
0x180: {  	[tilespmem:v35+s10+$0x0] =	vst.idx.msk $0xffff, v36  }
0x181: {  	v35 =	vld.idx.msk [tilespmem:v37+s7+$0x0], $0xffff  }
0x182: {  	v36 =	vld.idx.msk [tilespmem:v38+s8+$0x0], $0xffff;
	_ =	sdelay $0x4  }
0x183: {  	v37 =	vadd.s32 s22, v10  }
0x184: {  	v35 =	vadd.f32 v36, v35;
	v36 =	vadd.s32 v33, v11  }
0x185: {  	v38 =	vadd.s32 v12, v34  }
0x186: {  	v35 =	vmul.f32 v35, v13;
	_ =	sdelay $0x1  }
0x187: {  	[tilespmem:v37+s10+$0x0] =	vst.idx.msk $0xffff, v35  }
0x188: {  	v35 =	vld.idx.msk [tilespmem:v36+s7+$0x0], $0xffff  }
0x189: {  	v36 =	vld.idx.msk [tilespmem:v38+s8+$0x0], $0xffff;
	_ =	sdelay $0x4  }
0x18a: {  	v37 =	vadd.s32 v14, v33  }
0x18b: {  	v35 =	vadd.f32 v36, v35;
	v36 =	vadd.s32 v33, v15  }
0x18c: {  	v38 =	vadd.s32 v16, v34  }
0x18d: {  	v35 =	vmul.f32 v35, v13;
	_ =	sdelay $0x1  }
0x18e: {  	[tilespmem:v37+s10+$0x0] =	vst.idx.msk $0xffff, v35  }
0x18f: {  	v35 =	vld.idx.msk [tilespmem:v36+s7+$0x0], $0xffff  }
0x190: {  	v36 =	vld.idx.msk [tilespmem:v38+s8+$0x0], $0xffff;
	_ =	sdelay $0x4  }
0x191: {  	v37 =	vadd.s32 v17, v33  }
0x192: {  	v38 =	vadd.s32 v19, v34;
	v35 =	vadd.f32 v36, v35;
	v36 =	vadd.s32 v33, v18;
	_ =	sdelay $0x1  }
0x193: {  	v35 =	vmul.f32 v35, v13;
	_ =	sdelay $0x1  }
0x194: {  	[tilespmem:v37+s10+$0x0] =	vst.idx.msk $0xffff, v35  }
0x195: {  	v35 =	vld.idx.msk [tilespmem:v36+s7+$0x0], $0xffff  }
0x196: {  	v36 =	vld.idx.msk [tilespmem:v38+s8+$0x0], $0xffff;
	_ =	sdelay $0x3  }
0x197: {  	v37 =	vadd.s32 v20, v33;
	_ =	sdelay $0x1  }
0x198: {  	v38 =	vadd.s32 v22, v34;
	v35 =	vadd.f32 v36, v35;
	v36 =	vadd.s32 v33, v21;
	_ =	sdelay $0x1  }
0x199: {  	v35 =	vmul.f32 v35, v13;
	_ =	sdelay $0x1  }
0x19a: {  	[tilespmem:v37+s10+$0x0] =	vst.idx.msk $0xffff, v35  }
0x19b: {  	v35 =	vld.idx.msk [tilespmem:v36+s7+$0x0], $0xffff  }
0x19c: {  	v36 =	vld.idx.msk [tilespmem:v38+s8+$0x0], $0xffff;
	_ =	sdelay $0x2  }
0x19d: {  	v37 =	vadd.s32 v23, v33;
	_ =	sdelay $0x2  }
0x19e: {  	v38 =	vadd.s32 v25, v34;
	v35 =	vadd.f32 v36, v35;
	v36 =	vadd.s32 v33, v24;
	_ =	sdelay $0x1  }
0x19f: {  	v35 =	vmul.f32 v35, v13;
	_ =	sdelay $0x1  }
0x1a0: {  	[tilespmem:v37+s10+$0x0] =	vst.idx.msk $0xffff, v35  }
0x1a1: {  	v35 =	vld.idx.msk [tilespmem:v36+s7+$0x0], $0xffff  }
0x1a2: {  	v36 =	vld.idx.msk [tilespmem:v38+s8+$0x0], $0xffff;
	_ =	sdelay $0x1  }
0x1a3: {  	v37 =	vadd.s32 v26, v33;
	_ =	sdelay $0x3  }
0x1a4: {  	v38 =	vadd.s32 v28, v34;
	v35 =	vadd.f32 v36, v35;
	v36 =	vadd.s32 v33, v27;
	_ =	sdelay $0x1  }
0x1a5: {  	v35 =	vmul.f32 v35, v13;
	_ =	sdelay $0x1  }
0x1a6: {  	[tilespmem:v37+s10+$0x0] =	vst.idx.msk $0xffff, v35  }
0x1a7: {  	v35 =	vld.idx.msk [tilespmem:v36+s7+$0x0], $0xffff  }
0x1a8: {  	v36 =	vld.idx.msk [tilespmem:v38+s8+$0x0], $0xffff  }
0x1a9: {  	v37 =	vadd.s32 v29, v33;
	_ =	sdelay $0x4  }
0x1aa: {  	v38 =	vadd.s32 v31, v34;
	v35 =	vadd.f32 v36, v35;
	v36 =	vadd.s32 v33, v30;
	_ =	sdelay $0x1  }
.Ltmp10:
0x1ab: {  	v34 =	vmul.f32 v35, v13;
	(pc) =	sbr.rel @p2 .LBB2_12-.Ltmp10, $4  }
0x1ac: {  	_ = 	snop  }
0x1ad: {  	[tilespmem:v37+s10+$0x0] =	vst.idx.msk $0xffff, v34  }
0x1ae: {  	v34 =	vld.idx.msk [tilespmem:v36+s7+$0x0], $0xffff  }
0x1af: {  	v35 =	vadd.s32 v32, v33;
	v36 =	vld.idx.msk [tilespmem:v38+s8+$0x0], $0xffff  }
0x1b0: {  	_ =	sdelay $0x3  }
0x1b1: {  	v9 =	vadd.s32 $0x40, v10;
	v8 =	vadd.f32 v36, v34  }
.Ltmp11:
0x1b2: {  	_ = 	snop;
	(pc) =	sbr.rel @p0 .LBB2_21-.Ltmp11, $3  }
0x1b3: {  	v8 =	vmul.f32 v8, v13;
	_ =	sdelay $0x1  }
0x1b4: {  	[tilespmem:v35+s10+$0x0] =	vst.idx.msk $0xffff, v8  }
0x1b5: {  	[tilespmem:v9+s10+$0x0] =	vst.idx.msk $0xffff, v13  }
0x1b6: {  	v8 =	vor.u32 $0x10, v7  }
0x1b7: {  	v9 =	vadd.s32 $0x90, v4;
	v10 =	vadd.s32 $0xC0, v5;
	v6 =	vshll.u32 v6, $0x4  }
0x1b8: {  	v11 =	vor.u32 $0x11, v7;
	v12 =	vadd.s32 $0x91, v4;
	v13 =	vadd.s32 $0xC1, v5  }
0x1b9: {  	v14 =	vor.u32 $0x12, v7;
	v15 =	vadd.s32 $0x92, v4;
	v16 =	vadd.s32 $0xC2, v5  }
0x1ba: {  	v17 =	vor.u32 $0x13, v7;
	v18 =	vadd.s32 $0x93, v4;
	v19 =	vadd.s32 $0xC3, v5  }
0x1bb: {  	v20 =	vor.u32 $0x14, v7;
	v21 =	vadd.s32 $0x94, v4;
	v22 =	vadd.s32 $0xC4, v5  }
0x1bc: {  	v23 =	vor.u32 $0x15, v7;
	v24 =	vadd.s32 $0x95, v4;
	v25 =	vadd.s32 $0xC5, v5  }
0x1bd: {  	v26 =	vor.u32 $0x16, v7;
	v27 =	vadd.s32 $0x96, v4;
	v28 =	vadd.s32 $0xC6, v5  }
0x1be: {  	v7 =	vor.u32 $0x17, v7;
	v4 =	vadd.s32 $0x97, v4;
	v5 =	vadd.s32 $0xC7, v5;
	s22 =	simm.s32 $0x0;
	p2 =	por $0x1, $0x1  }
.LBB2_15:
0x1bf: {  	v29 =	vor.u32 s22, v8  }
0x1c0: {  	v30 =	vor.u32 s22, v9;
	_ =	sdelay $0x1  }
0x1c1: {  	v31 =	vor.u32 s22, v10;
	_ =	sdelay $0x1  }
0x1c2: {  	v29 =	vld.idx.msk [tilespmem:v29+s8+$0x0], $0xffff  }
0x1c3: {  	v30 =	vld.idx.msk [tilespmem:v30+s0+$0x0], $0xffff;
	_ =	sdelay $0x1  }
0x1c4: {  	s23 =	sor.u32 $0x1, s22;
	v31 =	vld.idx.msk [tilespmem:v31+s7+$0x0], $0xffff  }
0x1c5: {  	v32 =	vmov s23  }
0x1c6: {  	v33 =	vor.u32 s22, v6;
	v32 =	vand.u32 $0x8, v32  }
0x1c7: {  	v29 =	vadd.f32 v30, v29;
	v30 =	vor.u32 v32, v11  }
0x1c8: {  	v34 =	vor.u32 v32, v12  }
0x1c9: {  	v29 =	vadd.f32 v31, v29  }
0x1ca: {  	v31 =	vor.u32 v32, v13  }
0x1cb: {  	[tilespmem:v33+s11+$0x0] =	vst.idx.msk $0xffff, v29  }
0x1cc: {  	v29 =	vld.idx.msk [tilespmem:v30+s8+$0x0], $0xffff  }
0x1cd: {  	v30 =	vld.idx.msk [tilespmem:v34+s0+$0x0], $0xffff;
	_ =	sdelay $0x1  }
0x1ce: {  	s24 =	sor.u32 $0x2, s22;
	v31 =	vld.idx.msk [tilespmem:v31+s7+$0x0], $0xffff  }
0x1cf: {  	v45 =	vmov s24  }
0x1d0: {  	v46 =	vor.u32 s23, v6;
	v32 =	vand.u32 $0x8, v45  }
0x1d1: {  	v29 =	vadd.f32 v30, v29;
	v30 =	vor.u32 v32, v14  }
0x1d2: {  	v47 =	vor.u32 v32, v15  }
0x1d3: {  	v29 =	vadd.f32 v31, v29  }
0x1d4: {  	v31 =	vor.u32 v32, v16  }
0x1d5: {  	[tilespmem:v46+s11+$0x0] =	vst.idx.msk $0xffff, v29  }
0x1d6: {  	v29 =	vld.idx.msk [tilespmem:v30+s8+$0x0], $0xffff  }
0x1d7: {  	v30 =	vld.idx.msk [tilespmem:v47+s0+$0x0], $0xffff;
	_ =	sdelay $0x1  }
0x1d8: {  	s23 =	sor.u32 $0x3, s22;
	v31 =	vld.idx.msk [tilespmem:v31+s7+$0x0], $0xffff  }
0x1d9: {  	v48 =	vmov s23  }
0x1da: {  	v49 =	vor.u32 s24, v6;
	v32 =	vand.u32 $0x8, v48  }
0x1db: {  	v29 =	vadd.f32 v30, v29;
	v30 =	vor.u32 v32, v17  }
0x1dc: {  	v50 =	vor.u32 v32, v18  }
0x1dd: {  	v29 =	vadd.f32 v31, v29  }
0x1de: {  	v31 =	vor.u32 v32, v19  }
0x1df: {  	[tilespmem:v49+s11+$0x0] =	vst.idx.msk $0xffff, v29  }
0x1e0: {  	v29 =	vld.idx.msk [tilespmem:v30+s8+$0x0], $0xffff  }
0x1e1: {  	v30 =	vld.idx.msk [tilespmem:v50+s0+$0x0], $0xffff;
	_ =	sdelay $0x1  }
0x1e2: {  	s24 =	sor.u32 $0x4, s22;
	v31 =	vld.idx.msk [tilespmem:v31+s7+$0x0], $0xffff  }
0x1e3: {  	v51 =	vmov s24  }
0x1e4: {  	v52 =	vor.u32 s23, v6;
	v32 =	vand.u32 $0x8, v51  }
0x1e5: {  	v29 =	vadd.f32 v30, v29;
	v30 =	vor.u32 v32, v20  }
0x1e6: {  	v53 =	vor.u32 v32, v21  }
0x1e7: {  	v29 =	vadd.f32 v31, v29  }
0x1e8: {  	v31 =	vor.u32 v32, v22  }
0x1e9: {  	[tilespmem:v52+s11+$0x0] =	vst.idx.msk $0xffff, v29  }
0x1ea: {  	v29 =	vld.idx.msk [tilespmem:v30+s8+$0x0], $0xffff  }
0x1eb: {  	v30 =	vld.idx.msk [tilespmem:v53+s0+$0x0], $0xffff;
	_ =	sdelay $0x1  }
0x1ec: {  	s23 =	sor.u32 $0x5, s22;
	v31 =	vld.idx.msk [tilespmem:v31+s7+$0x0], $0xffff  }
0x1ed: {  	v54 =	vmov s23  }
0x1ee: {  	v55 =	vor.u32 s24, v6;
	v32 =	vand.u32 $0x8, v54  }
0x1ef: {  	v29 =	vadd.f32 v30, v29;
	v30 =	vor.u32 v32, v23  }
0x1f0: {  	v56 =	vor.u32 v32, v24  }
0x1f1: {  	v29 =	vadd.f32 v31, v29  }
0x1f2: {  	v31 =	vor.u32 v32, v25  }
0x1f3: {  	[tilespmem:v55+s11+$0x0] =	vst.idx.msk $0xffff, v29  }
0x1f4: {  	v29 =	vld.idx.msk [tilespmem:v30+s8+$0x0], $0xffff  }
0x1f5: {  	v30 =	vld.idx.msk [tilespmem:v56+s0+$0x0], $0xffff;
	_ =	sdelay $0x1  }
0x1f6: {  	s24 =	sor.u32 $0x6, s22;
	v31 =	vld.idx.msk [tilespmem:v31+s7+$0x0], $0xffff  }
0x1f7: {  	v57 =	vmov s24  }
0x1f8: {  	v58 =	vor.u32 s23, v6;
	v32 =	vand.u32 $0x8, v57  }
0x1f9: {  	v29 =	vadd.f32 v30, v29;
	v30 =	vor.u32 v32, v26  }
0x1fa: {  	v59 =	vor.u32 v32, v27  }
0x1fb: {  	v29 =	vadd.f32 v31, v29  }
0x1fc: {  	v31 =	vor.u32 v32, v28  }
0x1fd: {  	[tilespmem:v58+s11+$0x0] =	vst.idx.msk $0xffff, v29  }
0x1fe: {  	v29 =	vld.idx.msk [tilespmem:v30+s8+$0x0], $0xffff  }
0x1ff: {  	v30 =	vld.idx.msk [tilespmem:v59+s0+$0x0], $0xffff;
	_ =	sdelay $0x1  }
0x200: {  	s23 =	sor.u32 $0x7, s22;
	v31 =	vld.idx.msk [tilespmem:v31+s7+$0x0], $0xffff  }
0x201: {  	v60 =	vmov s23  }
0x202: {  	v61 =	vor.u32 s24, v6;
	v32 =	vand.u32 $0x8, v60  }
0x203: {  	v29 =	vadd.f32 v30, v29;
	v30 =	vor.u32 v32, v7  }
0x204: {  	v62 =	vor.u32 v32, v4  }
0x205: {  	v29 =	vadd.f32 v31, v29  }
0x206: {  	v31 =	vor.u32 v32, v5  }
0x207: {  	[tilespmem:v61+s11+$0x0] =	vst.idx.msk $0xffff, v29  }
0x208: {  	v29 =	vld.idx.msk [tilespmem:v30+s8+$0x0], $0xffff  }
0x209: {  	v30 =	vld.idx.msk [tilespmem:v62+s0+$0x0], $0xffff;
	_ =	sdelay $0x1  }
0x20a: {  	v31 =	vld.idx.msk [tilespmem:v31+s7+$0x0], $0xffff;
	_ =	sdelay $0x1  }
0x20b: {  	p3 =	por p2, p2;
	v63 =	vor.u32 s23, v6  }
.Ltmp12:
0x20c: {  	v29 =	vadd.f32 v30, v29;
	(pc) =	sbr.rel @p3 .LBB2_15-.Ltmp12, $3  }
0x20d: {  	_ = 	snop  }
0x20e: {  	v29 =	vadd.f32 v31, v29;
	_ =	sdelay $0x1  }
0x20f: {  	p2 =	por $0x0, $0x0;
	s22 =	simm.s32 $0x8;
	[tilespmem:v63+s11+$0x0] =	vst.idx.msk $0xffff, v29  }
0x210: {  	s21 =	sadd.s32 $0x1, s21  }
0x211: {  	p2 =	seq.s32 s21, $0x5  }
.Ltmp13:
0x212: {  	_ = 	snop;
	(pc) =	sbr.rel @!p2 .LBB2_7-.Ltmp13, $1  }
0x213: {  	_ =	sdelay $0x3  }
0x214: {  	s20 =	sshll.u32 s20, $0x1  }
.Ltmp14:
0x215: {  	s20 =	sadd.s32 s3, s20;
	(pc) =	sbr.rel .LBB2_18-.Ltmp14, $4  }
0x216: {  	[hbm4b:s20+s5] =	stream.linear.scatter [tilespmem:s11], [sflag:$0x2], $0x500, $0x38;
	[tilespmem:$0x17408] =	vst v63  }
0x217: {  	_ =	swait.ge [sflag:s30], $0x500  }
0x218: {  	[sflag:s30] =	ssyncset.done $0x0  }
0x219: {  	[sflag:s30] =	ssyncadd.s32 $0xFFFFFB00  }
.LBB2_20:
0x21a: {  	_ =	sfence.sel $0x180000  }
0x21b: {  	[bflag:$0x0] =	sbarrier.arrive $0xFFFF  }
0x21c: {  	_ =	strace $0x90000047  }
0x21d: {  	s0 =	stileid.u32;
	[bflag:$0x2] =	sbarrier.arrive $0xFFFF  }
0x21e: {  	p0 =	sne.s32 s0, $0x0;
	s0 =	rddreg [dreg:$0x4]  }
0x21f: {  	s0 =	sadd.s32 @!p0 $0x100000, s0  }
0x220: {  	[sflag:s0] =	ssyncadd.tile.s32 @!p0 $0x1;
	_ =	shalt  }
.Lfunc_end2:
_tile_overlayer_lowered:
.L_overlay_start_2:
0x221: {  	(tag) =	ssettag $0x2  }
0x222: {  	s0 =	rddreg [dreg:$0x0];
	s2 =	stileid.u32  }
0x223: {  	s1 =	rddreg [dreg:$0x1];
	p0 =	sne.s32 s2, $0x0  }
0x224: {  	s3 =	rddreg [dreg:$0x2];
	[bflag:$0x3] =	sbarrier.arrive $0xFFFF;
	s2 =	simm.s32 @!p0 $0x1C02  }
0x225: {  	[timem:s3], [sflag:s2] =	dma.local @!p0 [hbm:s0], s1  }
0x226: {  	s0 =	simm.s32 @!p0 $0x2  }
0x227: {  	_ =	swait.ge @!p0 [sflag:s0], s1  }
0x228: {  	s1 =	ssub.s32 @!p0 $0x0, s1;
	[sflag:s0] =	ssyncset.done @!p0 $0x0  }
0x229: {  	[sflag:s0] =	ssyncadd.s32 @!p0 s1  }
0x22a: {  	[bflag:$0x3] =	sbarrier.arrive $0xFFFF  }
0x22b: {  	_ =	shalt  }

</sc_bundles>
